<compile_context>
chip_gen: v7x
topology: tpu7x:2x2x1
jax: 0.10.2.dev20260603
libtpu: 0.0.44.dev20260713+nightly
codegen_flags: <defaults>
</compile_context>

<pallas_src>
import functools

import jax
import jax.numpy as jnp
from jax import lax
from jax.experimental import pallas as pl
from jax.experimental.pallas import tpu as pltpu
import jax.experimental.pallas.tpu_sc as plsc

N = 10000
E = 320000
NC = 2
NS = 16
NW = NC * NS
EPW = E // NW
C = 80
CH = EPW // C
CHP = CH // 2
CHQ = CH // 4
RPS = N // NS
CW = 16
BE = 4000
GRID = E // BE

_mesh = plsc.VectorSubcoreMesh(core_axis_name="c", subcore_axis_name="s",
                               num_cores=NC, num_subcores=NS)
_untiled = pltpu.CompilerParams(use_tc_tiling_on_sc=False)


def _wid():
    return lax.axis_index("s") * NC + lax.axis_index("c")



@functools.partial(jax.jit, static_argnums=(2,))
def _sc_gather1(table, idx3, w):

    @functools.partial(
        pl.kernel,
        out_type=jax.ShapeDtypeStruct((E, w), jnp.float32),
        mesh=_mesh,
        compiler_params=_untiled,
        scratch_types=[
            pltpu.VMEM((CH, C), jnp.int32),
            pltpu.VMEM((C, w), jnp.float32),
            pltpu.VMEM((C, w), jnp.float32),
            pltpu.VMEM((C, w), jnp.float32),
            pltpu.VMEM((C, w), jnp.float32),
            pltpu.SemaphoreType.DMA,
            pltpu.SemaphoreType.DMA,
            pltpu.SemaphoreType.DMA,
            pltpu.SemaphoreType.DMA,
        ],
    )
    def k(table_h, idx_h, out_h, idx_v, r0, r1, r2, r3, s0, s1, s2, s3):
        wid = _wid()
        pltpu.sync_copy(idx_h.at[wid], idx_v)
        base = wid * EPW
        bufs = (r0, r1, r2, r3)
        sems = (s0, s1, s2, s3)

        def quad(t, carry):
            j0 = 4 * t
            cs = [pltpu.async_copy(table_h.at[idx_v.at[j0 + u]],
                                   bufs[u], sems[u]) for u in range(4)]
            for u in range(4):
                cs[u].wait()
                pltpu.sync_copy(bufs[u],
                                out_h.at[pl.ds(base + (j0 + u) * C, C)])
            return carry

        lax.fori_loop(0, CHQ, quad, 0)
        pltpu.async_copy(table_h.at[idx_v.at[CH - 1]], r0, s0).wait()
        pltpu.sync_copy(r0, out_h.at[pl.ds(base + (CH - 1) * C, C)])

    return k(table, idx3)


@jax.jit
def _sc_gather2(ta, tb, idxa3, idxb3):

    @functools.partial(
        pl.kernel,
        out_type=(jax.ShapeDtypeStruct((E, 64), jnp.float32),
                  jax.ShapeDtypeStruct((E, 64), jnp.float32)),
        mesh=_mesh,
        compiler_params=_untiled,
        scratch_types=[
            pltpu.VMEM((CH, C), jnp.int32),
            pltpu.VMEM((CH, C), jnp.int32),
            pltpu.VMEM((C, 64), jnp.float32),
            pltpu.VMEM((C, 64), jnp.float32),
            pltpu.VMEM((C, 64), jnp.float32),
            pltpu.VMEM((C, 64), jnp.float32),
            pltpu.SemaphoreType.DMA,
            pltpu.SemaphoreType.DMA,
            pltpu.SemaphoreType.DMA,
            pltpu.SemaphoreType.DMA,
        ],
    )
    def k(ta_h, tb_h, idxa_h, idxb_h, oa_h, ob_h,
          ia_v, ib_v, a0, b0, a1, b1, sa0, sb0, sa1, sb1):
        wid = _wid()
        pltpu.sync_copy(idxa_h.at[wid], ia_v)
        pltpu.sync_copy(idxb_h.at[wid], ib_v)
        base = wid * EPW

        def pair(t, carry):
            j0 = 2 * t
            j1 = j0 + 1
            ca0 = pltpu.async_copy(ta_h.at[ia_v.at[j0]], a0, sa0)
            cb0 = pltpu.async_copy(tb_h.at[ib_v.at[j0]], b0, sb0)
            ca1 = pltpu.async_copy(ta_h.at[ia_v.at[j1]], a1, sa1)
            cb1 = pltpu.async_copy(tb_h.at[ib_v.at[j1]], b1, sb1)
            ca0.wait()
            pltpu.sync_copy(a0, oa_h.at[pl.ds(base + j0 * C, C)])
            cb0.wait()
            pltpu.sync_copy(b0, ob_h.at[pl.ds(base + j0 * C, C)])
            ca1.wait()
            pltpu.sync_copy(a1, oa_h.at[pl.ds(base + j1 * C, C)])
            cb1.wait()
            pltpu.sync_copy(b1, ob_h.at[pl.ds(base + j1 * C, C)])
            return carry

        lax.fori_loop(0, CHP, pair, 0)
        jl = CH - 1
        ca0 = pltpu.async_copy(ta_h.at[ia_v.at[jl]], a0, sa0)
        cb0 = pltpu.async_copy(tb_h.at[ib_v.at[jl]], b0, sb0)
        ca0.wait()
        pltpu.sync_copy(a0, oa_h.at[pl.ds(base + jl * C, C)])
        cb0.wait()
        pltpu.sync_copy(b0, ob_h.at[pl.ds(base + jl * C, C)])

    return k(ta, tb, idxa3, idxb3)



@functools.partial(jax.jit, static_argnums=(3,))
def _sc_scatter(vals, idx3, zeros_w, w):

    @functools.partial(
        pl.kernel,
        out_type=jax.ShapeDtypeStruct((NC, N, w), jnp.float32),
        mesh=_mesh,
        compiler_params=_untiled,
        scratch_types=[
            pltpu.VMEM((CH, C), jnp.int32),
            pltpu.VMEM((C, w), jnp.float32),
            pltpu.VMEM((C, w), jnp.float32),
            pltpu.VMEM((C, w), jnp.float32),
            pltpu.VMEM((C, w), jnp.float32),
            pltpu.VMEM_SHARED((N, w), jnp.float32),
            pltpu.SemaphoreType.DMA,
            pltpu.SemaphoreType.DMA,
            pltpu.SemaphoreType.DMA,
            pltpu.SemaphoreType.DMA,
        ],
    )
    def k(vals_h, idx_h, zw_h, out_h, idx_v, v0, v1, v2, v3, acc_s,
          s0, s1, s2, s3):
        cid = lax.axis_index("c")
        sid = lax.axis_index("s")
        wid = sid * NC + cid
        row0 = sid * RPS
        pltpu.sync_copy(zw_h.at[pl.ds(row0, RPS)], acc_s.at[pl.ds(row0, RPS)])
        pltpu.sync_copy(idx_h.at[wid], idx_v)
        plsc.subcore_barrier()
        base = wid * EPW

        bufs = (v0, v1, v2, v3)
        sems = (s0, s1, s2, s3)

        def quad(t, carry):
            j0 = 4 * t
            cs = [pltpu.async_copy(vals_h.at[pl.ds(base + (j0 + u) * C, C)],
                                   bufs[u], sems[u]) for u in range(4)]
            for u in range(4):
                cs[u].wait()
                pltpu.sync_copy(bufs[u], acc_s.at[idx_v.at[j0 + u]], add=True)
            return carry

        lax.fori_loop(0, CHQ, quad, 0)
        jl = CH - 1
        pltpu.async_copy(vals_h.at[pl.ds(base + jl * C, C)], v0, s0).wait()
        pltpu.sync_copy(v0, acc_s.at[idx_v.at[jl]], add=True)
        plsc.subcore_barrier()
        pltpu.sync_copy(acc_s.at[pl.ds(row0, RPS)],
                        out_h.at[cid, pl.ds(row0, RPS)])

    return k(vals, idx3, zeros_w)


@jax.jit
def _sc_scatter_cnt(vals, idx3, zeros_w, zeros_c):
    w = 128

    @functools.partial(
        pl.kernel,
        out_type=(jax.ShapeDtypeStruct((NC, N, w), jnp.float32),
                  jax.ShapeDtypeStruct((NC, N, CW), jnp.float32)),
        mesh=_mesh,
        compiler_params=_untiled,
        scratch_types=[
            pltpu.VMEM((CH, C), jnp.int32),
            pltpu.VMEM((C, w), jnp.float32),
            pltpu.VMEM((C, w), jnp.float32),
            pltpu.VMEM((C, CW), jnp.float32),
            pltpu.VMEM_SHARED((N, w), jnp.float32),
            pltpu.VMEM_SHARED((N, CW), jnp.float32),
            pltpu.SemaphoreType.DMA,
            pltpu.SemaphoreType.DMA,
        ],
    )
    def k(vals_h, idx_h, zw_h, zc_h, out_h, outc_h,
          idx_v, v0, v1, ones_v, acc_s, accc_s, s0, s1):
        cid = lax.axis_index("c")
        sid = lax.axis_index("s")
        wid = sid * NC + cid
        row0 = sid * RPS
        pltpu.sync_copy(zw_h.at[pl.ds(row0, RPS)], acc_s.at[pl.ds(row0, RPS)])
        pltpu.sync_copy(zc_h.at[pl.ds(row0, RPS)], accc_s.at[pl.ds(row0, RPS)])
        pltpu.sync_copy(idx_h.at[wid], idx_v)

        def fill(i, carry):
            ones_v[i, :] = jnp.full((CW,), 1.0, jnp.float32)
            return carry

        lax.fori_loop(0, C, fill, 0)
        plsc.subcore_barrier()
        base = wid * EPW

        def pair(t, carry):
            j0 = 2 * t
            j1 = j0 + 1
            c0 = pltpu.async_copy(vals_h.at[pl.ds(base + j0 * C, C)], v0, s0)
            c1 = pltpu.async_copy(vals_h.at[pl.ds(base + j1 * C, C)], v1, s1)
            c0.wait()
            pltpu.sync_copy(v0, acc_s.at[idx_v.at[j0]], add=True)
            pltpu.sync_copy(ones_v, accc_s.at[idx_v.at[j0]], add=True)
            c1.wait()
            pltpu.sync_copy(v1, acc_s.at[idx_v.at[j1]], add=True)
            pltpu.sync_copy(ones_v, accc_s.at[idx_v.at[j1]], add=True)
            return carry

        lax.fori_loop(0, CHP, pair, 0)
        jl = CH - 1
        pltpu.async_copy(vals_h.at[pl.ds(base + jl * C, C)], v0, s0).wait()
        pltpu.sync_copy(v0, acc_s.at[idx_v.at[jl]], add=True)
        pltpu.sync_copy(ones_v, accc_s.at[idx_v.at[jl]], add=True)
        plsc.subcore_barrier()
        pltpu.sync_copy(acc_s.at[pl.ds(row0, RPS)],
                        out_h.at[cid, pl.ds(row0, RPS)])
        pltpu.sync_copy(accc_s.at[pl.ds(row0, RPS)],
                        outc_h.at[cid, pl.ds(row0, RPS)])

    return k(vals, idx3, zeros_w, zeros_c)


@jax.jit
def _sc_dec1_fused(tab, idxd3, idxs3, zeros_w):

    @functools.partial(
        pl.kernel,
        out_type=jax.ShapeDtypeStruct((NC, N, 32), jnp.float32),
        mesh=_mesh,
        compiler_params=_untiled,
        scratch_types=[
            pltpu.VMEM((CH, C), jnp.int32),
            pltpu.VMEM((CH, C), jnp.int32),
            pltpu.VMEM((C, 64), jnp.float32),
            pltpu.VMEM((C, 64), jnp.float32),
            pltpu.VMEM((C, 64), jnp.float32),
            pltpu.VMEM((C, 64), jnp.float32),
            pltpu.VMEM((C, 32), jnp.float32),
            pltpu.VMEM_SHARED((N, 32), jnp.float32),
            pltpu.SemaphoreType.DMA,
            pltpu.SemaphoreType.DMA,
            pltpu.SemaphoreType.DMA,
            pltpu.SemaphoreType.DMA,
        ],
    )
    def k(tab_h, idxd_h, idxs_h, zw_h, out_h,
          id_v, is_v, a0, b0, a1, b1, r_v, acc_s, sa0, sb0, sa1, sb1):
        cid = lax.axis_index("c")
        sid = lax.axis_index("s")
        wid = sid * NC + cid
        row0 = sid * RPS
        pltpu.sync_copy(zw_h.at[pl.ds(row0, RPS)], acc_s.at[pl.ds(row0, RPS)])
        pltpu.sync_copy(idxd_h.at[wid], id_v)
        pltpu.sync_copy(idxs_h.at[wid], is_v)
        plsc.subcore_barrier()

        def compute_scatter(a_v, b_v, j):
            def row(i, carry2):
                r_v[i, pl.ds(0, 16)] = jnp.maximum(
                    a_v[i, pl.ds(0, 16)] + b_v[i, pl.ds(32, 16)], 0.0)
                r_v[i, pl.ds(16, 16)] = jnp.maximum(
                    a_v[i, pl.ds(16, 16)] + b_v[i, pl.ds(48, 16)], 0.0)
                return carry2

            lax.fori_loop(0, C, row, 0)
            pltpu.sync_copy(r_v, acc_s.at[id_v.at[j]], add=True)

        def pair(t, carry):
            j0 = 2 * t
            j1 = j0 + 1
            ca0 = pltpu.async_copy(tab_h.at[id_v.at[j0]], a0, sa0)
            cb0 = pltpu.async_copy(tab_h.at[is_v.at[j0]], b0, sb0)
            ca1 = pltpu.async_copy(tab_h.at[id_v.at[j1]], a1, sa1)
            cb1 = pltpu.async_copy(tab_h.at[is_v.at[j1]], b1, sb1)
            ca0.wait()
            cb0.wait()
            compute_scatter(a0, b0, j0)
            ca1.wait()
            cb1.wait()
            compute_scatter(a1, b1, j1)
            return carry

        lax.fori_loop(0, CHP, pair, 0)
        jl = CH - 1
        ca0 = pltpu.async_copy(tab_h.at[id_v.at[jl]], a0, sa0)
        cb0 = pltpu.async_copy(tab_h.at[is_v.at[jl]], b0, sb0)
        ca0.wait()
        cb0.wait()
        compute_scatter(a0, b0, jl)
        plsc.subcore_barrier()
        pltpu.sync_copy(acc_s.at[pl.ds(row0, RPS)],
                        out_h.at[cid, pl.ds(row0, RPS)])

    return k(tab, idxd3, idxs3, zeros_w)



def _full(shape):
    return pl.BlockSpec(shape, lambda i: (0, 0))


@functools.partial(jax.jit, static_argnums=(5,))
def _tc_enc_mlp(g, ea, w1bt, w2t, b2, w):

    def body(g_ref, ea_ref, w1b_ref, w2_ref, b2_ref, out_ref):
        r = jnp.maximum(g_ref[...] + ea_ref[...] @ w1b_ref[...], 0.0)
        out_ref[...] = jnp.maximum(r @ w2_ref[...] + b2_ref[...], 0.0)

    return pl.pallas_call(
        body,
        grid=(GRID,),
        in_specs=[
            pl.BlockSpec((BE, 32), lambda i: (i, 0)),
            pl.BlockSpec((BE, 16), lambda i: (i, 0)),
            _full((16, 32)),
            _full((32, w)),
            _full((1, w)),
        ],
        out_specs=pl.BlockSpec((BE, w), lambda i: (i, 0)),
        out_shape=jax.ShapeDtypeStruct((E, w), jnp.float32),
    )(g, ea, w1bt, w2t, b2)


@jax.jit
def _tc_dec0_head(gd, gs, w2, b2,
                  wp, wq, b1f, w2f, b2f, w3f, b3f, sp, sq, bd):

    def body(gd_ref, gs_ref, w2_ref, b2_ref,
             wp_ref, wq_ref, b1f_ref, w2f_ref, b2f_ref, w3f_ref, b3f_ref,
             sp_ref, sq_ref, bd_ref, h_ref, pred_ref):
        gd_v = gd_ref[...]
        gs_v = gs_ref[...]
        pre = gd_v + gs_v
        r = jnp.maximum(pre[:, :32], 0.0)
        h_ref[...] = jnp.maximum(r @ w2_ref[...] + b2_ref[...], 0.0)
        s = pre[:, 32:]
        d = jnp.abs(gd_v[:, 32:] - gs_v[:, 32:])
        u = jnp.maximum(s @ wp_ref[...] + d @ wq_ref[...] + b1f_ref[...], 0.0)
        uu = jnp.maximum(u @ w2f_ref[...] + b2f_ref[...] + u, 0.0)
        pred_ref[...] = (uu @ w3f_ref[...] + b3f_ref[...]
                         + s @ sp_ref[...] + d @ sq_ref[...] + bd_ref[...])

    return pl.pallas_call(
        body,
        grid=(GRID,),
        in_specs=[
            pl.BlockSpec((BE, 64), lambda i: (i, 0)),
            pl.BlockSpec((BE, 64), lambda i: (i, 0)),
            _full((32, 64)), _full((1, 64)),
            _full((32, 32)), _full((32, 32)), _full((1, 32)),
            _full((32, 32)), _full((1, 32)),
            _full((32, 16)), _full((1, 16)),
            _full((32, 16)), _full((32, 16)), _full((1, 16)),
        ],
        out_specs=(pl.BlockSpec((BE, 64), lambda i: (i, 0)),
                   pl.BlockSpec((BE, 16), lambda i: (i, 0))),
        out_shape=(jax.ShapeDtypeStruct((E, 64), jnp.float32),
                   jax.ShapeDtypeStruct((E, 16), jnp.float32)),
    )(gd, gs, w2, b2, wp, wq, b1f, w2f, b2f, w3f, b3f, sp, sq, bd)



def kernel(x, edge_index, edge_attr, params):
    src = edge_index[0].astype(jnp.int32)
    dst = edge_index[1].astype(jnp.int32)
    dst3 = dst.reshape(NW, CH, C)
    src3 = src.reshape(NW, CH, C)
    f32 = jnp.float32
    z16 = jnp.zeros((N, CW), f32)
    z32 = jnp.zeros((N, 32), f32)
    z64 = jnp.zeros((N, 64), f32)
    z128 = jnp.zeros((N, 128), f32)

    def enc_edge_mlp(h, bp, w):
        din = h.shape[1]
        w1 = bp["l1"]["w"]
        t = h @ w1[:, :din].T + bp["l1"]["b"]
        g = _sc_gather1(t, dst3, 32)
        return _tc_enc_mlp(g, edge_attr, w1[:, din:].T,
                           bp["l2"]["w"].T, bp["l2"]["b"].reshape(1, w), w)

    bp = params["enc0"]
    hh = enc_edge_mlp(x, bp, 128)
    part, partc = _sc_scatter_cnt(hh, dst3, z128, z16)
    cnt = (partc[0, :, :1] + partc[1, :, :1])
    cntc = jnp.maximum(cnt, 1.0)
    h1 = (part[0] + part[1]) / cntc + x

    bp = params["enc1"]
    hh = enc_edge_mlp(h1, bp, 64)
    part = _sc_scatter(hh, dst3, z64, 64)
    h2 = ((part[0] + part[1]) / cntc
          + h1 @ bp["res"]["w"].T + bp["res"]["b"])

    bp = params["enc2"]
    hh = enc_edge_mlp(h2, bp, 32)
    part = _sc_scatter(hh, dst3, z32, 32)
    z = ((part[0] + part[1]) / cntc
         + h2 @ bp["res"]["w"].T + bp["res"]["b"])

    bp = params["dec0"]
    w1 = bp["l1"]["w"]
    wa, wb = w1[:, :32], w1[:, 32:]
    eye = jnp.eye(32, dtype=f32)
    md = jnp.concatenate([wa - wb, eye], axis=0)
    ms = jnp.concatenate([wb, eye], axis=0)
    bd_pad = jnp.concatenate([bp["l1"]["b"], jnp.zeros((32,), f32)])
    tab_d = z @ md.T + bd_pad
    tab_s = z @ ms.T
    gd, gs = _sc_gather2(tab_d, tab_s, dst3, src3)
    f1 = params["fc1"]["w"]
    f1a, f1b = f1[:, :32], f1[:, 32:]
    fd = params["fc_direct"]["w"]
    fda, fdb = fd[:, :32], fd[:, 32:]
    h0, pred = _tc_dec0_head(
        gd, gs,
        bp["l2"]["w"].T, bp["l2"]["b"].reshape(1, 64),
        ((f1a + f1b) / 2).T, ((f1b - f1a) / 2).T,
        params["fc1"]["b"].reshape(1, 32),
        params["fc2"]["w"].T, params["fc2"]["b"].reshape(1, 32),
        params["fc3"]["w"].T, params["fc3"]["b"].reshape(1, 16),
        ((fda + fdb) / 2).T, ((fdb - fda) / 2).T,
        params["fc_direct"]["b"].reshape(1, 16))
    part = _sc_scatter(h0, dst3, z64, 64)
    h3 = ((part[0] + part[1]) / cntc
          + z @ bp["res"]["w"].T + bp["res"]["b"])

    bp = params["dec1"]
    w1 = bp["l1"]["w"]
    wa, wb = w1[:, :64], w1[:, 64:]
    m1 = jnp.concatenate([wa - wb, wb], axis=0)
    b1_pad = jnp.concatenate([bp["l1"]["b"], jnp.zeros((32,), f32)])
    tab = h3 @ m1.T + b1_pad
    part = _sc_dec1_fused(tab, dst3, src3, z32)
    sr = part[0] + part[1]
    x_rec = ((sr @ bp["l2"]["w"].T + cnt * bp["l2"]["b"]) / cntc
             + h3 @ bp["res"]["w"].T + bp["res"]["b"])
    return x_rec, pred

# --- scband reference (transcript-rebuilt; emitter-appended) ---
"""Pipeline reference for scband-rel-gae-29360396436027 (READ-ONLY COPY).

The authoritative reference and input builder live on the scoring server;
editing this copy changes nothing except your own understanding.
"""

import jax, jax.numpy as jnp
import numpy as np

N = 10000
E = 320000
D_IN = 128
D_EDGE = 16
BIG = 32
LAT = 32
D_OUT = 128


def _lin_params(key, out_d, in_d):
    k1, k2 = jax.random.split(key)
    return {"w": jax.random.normal(k1, (out_d, in_d), jnp.float32) * 0.05,
            "b": jax.random.normal(k2, (out_d,), jnp.float32) * 0.05}


def _block_params(key, in_d, out_d, enc_in, hid, residual):
    k1, k2, k3 = jax.random.split(key, 3)
    p = {"l1": _lin_params(k1, hid, enc_in), "l2": _lin_params(k2, out_d, hid)}
    if residual:
        p["res"] = _lin_params(k3, out_d, in_d)
    return p


def setup_inputs(seed: int = 0):
    key = jax.random.key(seed)
    ks = jax.random.split(key, 12)
    x = jax.random.normal(ks[0], (N, D_IN), jnp.float32)
    edge_index = jax.random.randint(ks[1], (2, E), 0, N).astype(jnp.int64)
    edge_attr = jax.random.normal(ks[2], (E, D_EDGE), jnp.float32)
    params = {
        "enc0": _block_params(ks[3], D_IN, 128, D_IN + D_EDGE, BIG, False),
        "enc1": _block_params(ks[4], 128, 64, 128 + D_EDGE, BIG, True),
        "enc2": _block_params(ks[5], 64, LAT, 64 + D_EDGE, BIG, True),
        "dec0": _block_params(ks[6], LAT, 64, 2 * LAT, BIG, True),
        "dec1": _block_params(ks[7], 64, D_OUT, 2 * 64, BIG, True),
        "fc_direct": _lin_params(ks[8], D_EDGE, 2 * LAT),
        "fc1": _lin_params(ks[9], BIG, 2 * LAT),
        "fc2": _lin_params(ks[10], BIG, BIG),
        "fc3": _lin_params(ks[11], D_EDGE, BIG),
    }
    return {"x": x, "edge_index": edge_index, "edge_attr": edge_attr, "params": params}


def _linear(h, p):
    return h @ p["w"].T + p["b"]


def _block(x, src, dst, edge_attr, p, dec, final):
    x_i = x[dst]
    x_j = x[src]
    if dec:
        ea = x_j - x_i
    else:
        ea = edge_attr if edge_attr is not None else jnp.zeros((src.shape[0], x.shape[1]), x.dtype)
    m = jnp.concatenate([x_i, ea], axis=-1)
    h = jax.nn.relu(_linear(m, p["l1"]))
    h = _linear(h, p["l2"])
    if not final:
        h = jax.nn.relu(h)
    sums = jax.ops.segment_sum(h, dst, num_segments=x.shape[0])
    cnt = jax.ops.segment_sum(jnp.ones((dst.shape[0], 1), x.dtype), dst, num_segments=x.shape[0])
    out = sums / jnp.maximum(cnt, 1.0)
    if "res" in p:
        res = _linear(x, p["res"])
    else:
        res = x
    return out + res


def _forward(x, edge_attr, params, src, dst):
    h = _block(x, src, dst, edge_attr, params["enc0"], False, False)
    h = _block(h, src, dst, edge_attr, params["enc1"], False, False)
    z = _block(h, src, dst, edge_attr, params["enc2"], False, False)
    h = _block(z, src, dst, None, params["dec0"], True, False)
    x_rec = _block(h, src, dst, None, params["dec1"], True, True)
    zs = z[src]
    zt = z[dst]
    x_cat = jnp.concatenate([jnp.minimum(zs, zt), jnp.maximum(zs, zt)], axis=-1)
    hh = jax.nn.relu(_linear(x_cat, params["fc1"]))
    hh = jax.nn.relu(_linear(hh, params["fc2"]) + hh)
    edge_pred = _linear(hh, params["fc3"]) + _linear(x_cat, params["fc_direct"])
    return x_rec, edge_pred


def reference(x, edge_index, edge_attr, params):
    src = edge_index[0]
    dst = edge_index[1]
    return _forward(x, edge_attr, params, src, dst)

if __name__ == "__main__":
    import jax
    _d = setup_inputs()
    print(jax.jit(kernel)(*tuple(_d.values())))

</pallas_src>

<mosaic_0001>
#map = affine_map<(d0, d1) -> (0, 0)>
#map1 = affine_map<(d0, d1) -> (0, 0, 0)>
module attributes {stable_mosaic.version = 14 : i64} {
  func.func @k(%arg0: i32, %arg1: i32, %arg2: memref<10000x32xf32, #tpu.memory_space<hbm>>, %arg3: memref<32x125x80xi32, #tpu.memory_space<hbm>>, %arg4: memref<320000x32xf32, #tpu.memory_space<hbm>>, %arg5: memref<125x80xi32, #tpu.memory_space<vmem>>, %arg6: memref<80x32xf32, #tpu.memory_space<vmem>>, %arg7: memref<80x32xf32, #tpu.memory_space<vmem>>, %arg8: memref<80x32xf32, #tpu.memory_space<vmem>>, %arg9: memref<80x32xf32, #tpu.memory_space<vmem>>, %arg10: memref<!tpu.dma_semaphore, #tpu.memory_space<semaphore_mem>>, %arg11: memref<!tpu.dma_semaphore, #tpu.memory_space<semaphore_mem>>, %arg12: memref<!tpu.dma_semaphore, #tpu.memory_space<semaphore_mem>>, %arg13: memref<!tpu.dma_semaphore, #tpu.memory_space<semaphore_mem>>) attributes {dimension_semantics = [#tpu.dimension_semantics<core_parallel>, #tpu.dimension_semantics<subcore_parallel>], iteration_bounds = array<i64: 2, 16>, scalar_prefetch = 0 : i64, scratch_operands = 9 : i64, tpu.core_type = #tpu.core_type<sc_vector_subcore>, window_params = [{transform_indices = #map}, {transform_indices = #map1}, {transform_indices = #map}]} {
    %mul3A = arith.constant 2 : i32
    %mul3A_0 = arith.muli %arg1, %mul3A : i32
    %add3A = arith.addi %mul3A_0, %arg0 : i32
    "tpu.region"() ({
      %run_scoped3A = tpu.sem_alloc : memref<!tpu.dma_semaphore, #tpu.memory_space<semaphore_mem>>
      %dma_start3A_22 = arith.constant 0 : i32
      %dma_start3A_23 = arith.constant 0 : i32
      %dma_start3A_24 = tpu.memref_slice %arg3[%add3A, %dma_start3A_22, %dma_start3A_23] : memref<32x125x80xi32, #tpu.memory_space<hbm>> -> memref<1x125x80xi32, #tpu.memory_space<hbm>>
      %dma_start3A_25 = tpu.memref_squeeze %dma_start3A_24 : memref<1x125x80xi32, #tpu.memory_space<hbm>> -> memref<125x80xi32, #tpu.memory_space<hbm>>
      %dma_start3A_26 = arith.constant 0 : i32
      %dma_start3A_27 = arith.constant 0 : i32
      %dma_start3A_28 = tpu.memref_slice %arg3[%add3A, %dma_start3A_26, %dma_start3A_27] : memref<32x125x80xi32, #tpu.memory_space<hbm>> -> memref<1x125x80xi32, #tpu.memory_space<hbm>>
      %dma_start3A_29 = tpu.memref_squeeze %dma_start3A_28 : memref<1x125x80xi32, #tpu.memory_space<hbm>> -> memref<125x80xi32, #tpu.memory_space<hbm>>
      tpu.enqueue_dma source(%dma_start3A_29 : memref<125x80xi32, #tpu.memory_space<hbm>>) target(%arg5 : memref<125x80xi32, #tpu.memory_space<vmem>>) target_semaphore(%run_scoped3A : memref<!tpu.dma_semaphore, #tpu.memory_space<semaphore_mem>>)
      %dma_wait3A_30 = arith.constant 0 : i32
      %dma_wait3A_31 = arith.constant 0 : i32
      %dma_wait3A_32 = tpu.memref_slice %arg3[%add3A, %dma_wait3A_30, %dma_wait3A_31] : memref<32x125x80xi32, #tpu.memory_space<hbm>> -> memref<1x125x80xi32, #tpu.memory_space<hbm>>
      %dma_wait3A_33 = tpu.memref_squeeze %dma_wait3A_32 : memref<1x125x80xi32, #tpu.memory_space<hbm>> -> memref<125x80xi32, #tpu.memory_space<hbm>>
      %dma_wait3A_34 = arith.constant 0 : i32
      %dma_wait3A_35 = arith.constant 0 : i32
      %dma_wait3A_36 = tpu.memref_slice %arg3[%add3A, %dma_wait3A_34, %dma_wait3A_35] : memref<32x125x80xi32, #tpu.memory_space<hbm>> -> memref<1x125x80xi32, #tpu.memory_space<hbm>>
      %dma_wait3A_37 = tpu.memref_squeeze %dma_wait3A_36 : memref<1x125x80xi32, #tpu.memory_space<hbm>> -> memref<125x80xi32, #tpu.memory_space<hbm>>
      tpu.wait_dma2 semaphore(%run_scoped3A : memref<!tpu.dma_semaphore, #tpu.memory_space<semaphore_mem>>) src(%dma_wait3A_37 : memref<125x80xi32, #tpu.memory_space<hbm>>) dst(%arg5 : memref<125x80xi32, #tpu.memory_space<vmem>>)
      tpu.yield
    }) : () -> ()
    %mul3A_1 = arith.constant 10000 : i32
    %mul3A_2 = arith.muli %add3A, %mul3A_1 : i32
    %scan3A = arith.constant 0 : i32
    %scan3A_3 = arith.constant 0 : i32
    %scan3A_4 = arith.constant 31 : i32
    %scan3A_5 = arith.addi %scan3A_3, %scan3A_4 : i32
    %scan3A_6 = arith.constant 1 : i32
    scf.for %scan3A_22 = %scan3A_3 to %scan3A_5 step %scan3A_6  : i32 {
      %mul3A_23 = arith.constant 4 : i32
      %mul3A_24 = arith.muli %mul3A_23, %scan3A_22 : i32
      %add3A_25 = arith.constant 0 : i32
      %add3A_26 = arith.addi %mul3A_24, %add3A_25 : i32
      %dma_start3A_27 = arith.constant 0 : i32
      %dma_start3A_28 = tpu.memref_slice %arg5[%add3A_26, %dma_start3A_27] : memref<125x80xi32, #tpu.memory_space<vmem>> -> memref<1x80xi32, #tpu.memory_space<vmem>>
      %dma_start3A_29 = tpu.memref_squeeze %dma_start3A_28 : memref<1x80xi32, #tpu.memory_space<vmem>> -> memref<80xi32, #tpu.memory_space<vmem>>
      %dma_start3A_30 = arith.constant 0 : i32
      %dma_start3A_31 = arith.constant 0 : i32
      %dma_start3A_32 = tpu.memref_slice %arg2[%dma_start3A_30, %dma_start3A_31] : memref<10000x32xf32, #tpu.memory_space<hbm>> -> memref<10000x32xf32, #tpu.memory_space<hbm>>
      tpu.enqueue_indirect_dma source(%dma_start3A_32 : memref<10000x32xf32, #tpu.memory_space<hbm>>) target(%arg6 : memref<80x32xf32, #tpu.memory_space<vmem>>) offsets(%dma_start3A_29 : memref<80xi32, #tpu.memory_space<vmem>>) semaphore(%arg10 : memref<!tpu.dma_semaphore, #tpu.memory_space<semaphore_mem>>)
      %add3A_33 = arith.constant 1 : i32
      %add3A_34 = arith.addi %mul3A_24, %add3A_33 : i32
      %dma_start3A_35 = arith.constant 0 : i32
      %dma_start3A_36 = tpu.memref_slice %arg5[%add3A_34, %dma_start3A_35] : memref<125x80xi32, #tpu.memory_space<vmem>> -> memref<1x80xi32, #tpu.memory_space<vmem>>
      %dma_start3A_37 = tpu.memref_squeeze %dma_start3A_36 : memref<1x80xi32, #tpu.memory_space<vmem>> -> memref<80xi32, #tpu.memory_space<vmem>>
      %dma_start3A_38 = arith.constant 0 : i32
      %dma_start3A_39 = arith.constant 0 : i32
      %dma_start3A_40 = tpu.memref_slice %arg2[%dma_start3A_38, %dma_start3A_39] : memref<10000x32xf32, #tpu.memory_space<hbm>> -> memref<10000x32xf32, #tpu.memory_space<hbm>>
      tpu.enqueue_indirect_dma source(%dma_start3A_40 : memref<10000x32xf32, #tpu.memory_space<hbm>>) target(%arg7 : memref<80x32xf32, #tpu.memory_space<vmem>>) offsets(%dma_start3A_37 : memref<80xi32, #tpu.memory_space<vmem>>) semaphore(%arg11 : memref<!tpu.dma_semaphore, #tpu.memory_space<semaphore_mem>>)
      %add3A_41 = arith.constant 2 : i32
      %add3A_42 = arith.addi %mul3A_24, %add3A_41 : i32
      %dma_start3A_43 = arith.constant 0 : i32
      %dma_start3A_44 = tpu.memref_slice %arg5[%add3A_42, %dma_start3A_43] : memref<125x80xi32, #tpu.memory_space<vmem>> -> memref<1x80xi32, #tpu.memory_space<vmem>>
      %dma_start3A_45 = tpu.memref_squeeze %dma_start3A_44 : memref<1x80xi32, #tpu.memory_space<vmem>> -> memref<80xi32, #tpu.memory_space<vmem>>
      %dma_start3A_46 = arith.constant 0 : i32
      %dma_start3A_47 = arith.constant 0 : i32
      %dma_start3A_48 = tpu.memref_slice %arg2[%dma_start3A_46, %dma_start3A_47] : memref<10000x32xf32, #tpu.memory_space<hbm>> -> memref<10000x32xf32, #tpu.memory_space<hbm>>
      tpu.enqueue_indirect_dma source(%dma_start3A_48 : memref<10000x32xf32, #tpu.memory_space<hbm>>) target(%arg8 : memref<80x32xf32, #tpu.memory_space<vmem>>) offsets(%dma_start3A_45 : memref<80xi32, #tpu.memory_space<vmem>>) semaphore(%arg12 : memref<!tpu.dma_semaphore, #tpu.memory_space<semaphore_mem>>)
      %add3A_49 = arith.constant 3 : i32
      %add3A_50 = arith.addi %mul3A_24, %add3A_49 : i32
      %dma_start3A_51 = arith.constant 0 : i32
      %dma_start3A_52 = tpu.memref_slice %arg5[%add3A_50, %dma_start3A_51] : memref<125x80xi32, #tpu.memory_space<vmem>> -> memref<1x80xi32, #tpu.memory_space<vmem>>
      %dma_start3A_53 = tpu.memref_squeeze %dma_start3A_52 : memref<1x80xi32, #tpu.memory_space<vmem>> -> memref<80xi32, #tpu.memory_space<vmem>>
      %dma_start3A_54 = arith.constant 0 : i32
      %dma_start3A_55 = arith.constant 0 : i32
      %dma_start3A_56 = tpu.memref_slice %arg2[%dma_start3A_54, %dma_start3A_55] : memref<10000x32xf32, #tpu.memory_space<hbm>> -> memref<10000x32xf32, #tpu.memory_space<hbm>>
      tpu.enqueue_indirect_dma source(%dma_start3A_56 : memref<10000x32xf32, #tpu.memory_space<hbm>>) target(%arg9 : memref<80x32xf32, #tpu.memory_space<vmem>>) offsets(%dma_start3A_53 : memref<80xi32, #tpu.memory_space<vmem>>) semaphore(%arg13 : memref<!tpu.dma_semaphore, #tpu.memory_space<semaphore_mem>>)
      %dma_wait3A_57 = arith.constant 0 : i32
      %dma_wait3A_58 = tpu.memref_slice %arg5[%add3A_26, %dma_wait3A_57] : memref<125x80xi32, #tpu.memory_space<vmem>> -> memref<1x80xi32, #tpu.memory_space<vmem>>
      %dma_wait3A_59 = tpu.memref_squeeze %dma_wait3A_58 : memref<1x80xi32, #tpu.memory_space<vmem>> -> memref<80xi32, #tpu.memory_space<vmem>>
      %dma_wait3A_60 = arith.constant 0 : i32
      %dma_wait3A_61 = arith.constant 0 : i32
      %dma_wait3A_62 = tpu.memref_slice %arg2[%dma_wait3A_60, %dma_wait3A_61] : memref<10000x32xf32, #tpu.memory_space<hbm>> -> memref<10000x32xf32, #tpu.memory_space<hbm>>
      tpu.wait_indirect_dma semaphore(%arg10 : memref<!tpu.dma_semaphore, #tpu.memory_space<semaphore_mem>>) src(%dma_wait3A_62 : memref<10000x32xf32, #tpu.memory_space<hbm>>) dst(%arg6 : memref<80x32xf32, #tpu.memory_space<vmem>>)
      %add3A_63 = arith.constant 0 : i32
      %add3A_64 = arith.addi %mul3A_24, %add3A_63 : i32
      %mul3A_65 = arith.constant 80 : i32
      %mul3A_66 = arith.muli %add3A_64, %mul3A_65 : i32
      %add3A_67 = arith.addi %mul3A_2, %mul3A_66 : i32
      "tpu.region"() ({
        %run_scoped3A = tpu.sem_alloc : memref<!tpu.dma_semaphore, #tpu.memory_space<semaphore_mem>>
        %dma_start3A_101 = arith.constant 0 : i32
        %dma_start3A_102 = tpu.memref_slice %arg4[%add3A_67, %dma_start3A_101] : memref<320000x32xf32, #tpu.memory_space<hbm>> -> memref<80x32xf32, #tpu.memory_space<hbm>>
        %dma_start3A_103 = arith.constant 0 : i32
        %dma_start3A_104 = tpu.memref_slice %arg4[%add3A_67, %dma_start3A_103] : memref<320000x32xf32, #tpu.memory_space<hbm>> -> memref<80x32xf32, #tpu.memory_space<hbm>>
        tpu.enqueue_dma source(%arg6 : memref<80x32xf32, #tpu.memory_space<vmem>>) target(%dma_start3A_104 : memref<80x32xf32, #tpu.memory_space<hbm>>) target_semaphore(%run_scoped3A : memref<!tpu.dma_semaphore, #tpu.memory_space<semaphore_mem>>)
        %dma_wait3A_105 = arith.constant 0 : i32
        %dma_wait3A_106 = tpu.memref_slice %arg4[%add3A_67, %dma_wait3A_105] : memref<320000x32xf32, #tpu.memory_space<hbm>> -> memref<80x32xf32, #tpu.memory_space<hbm>>
        %dma_wait3A_107 = arith.constant 0 : i32
        %dma_wait3A_108 = tpu.memref_slice %arg4[%add3A_67, %dma_wait3A_107] : memref<320000x32xf32, #tpu.memory_space<hbm>> -> memref<80x32xf32, #tpu.memory_space<hbm>>
        tpu.wait_dma2 semaphore(%run_scoped3A : memref<!tpu.dma_semaphore, #tpu.memory_space<semaphore_mem>>) src(%arg6 : memref<80x32xf32, #tpu.memory_space<vmem>>) dst(%dma_wait3A_108 : memref<80x32xf32, #tpu.memory_space<hbm>>)
        tpu.yield
      }) : () -> ()
      %dma_wait3A_68 = arith.constant 0 : i32
      %dma_wait3A_69 = tpu.memref_slice %arg5[%add3A_34, %dma_wait3A_68] : memref<125x80xi32, #tpu.memory_space<vmem>> -> memref<1x80xi32, #tpu.memory_space<vmem>>
      %dma_wait3A_70 = tpu.memref_squeeze %dma_wait3A_69 : memref<1x80xi32, #tpu.memory_space<vmem>> -> memref<80xi32, #tpu.memory_space<vmem>>
      %dma_wait3A_71 = arith.constant 0 : i32
      %dma_wait3A_72 = arith.constant 0 : i32
      %dma_wait3A_73 = tpu.memref_slice %arg2[%dma_wait3A_71, %dma_wait3A_72] : memref<10000x32xf32, #tpu.memory_space<hbm>> -> memref<10000x32xf32, #tpu.memory_space<hbm>>
      tpu.wait_indirect_dma semaphore(%arg11 : memref<!tpu.dma_semaphore, #tpu.memory_space<semaphore_mem>>) src(%dma_wait3A_73 : memref<10000x32xf32, #tpu.memory_space<hbm>>) dst(%arg7 : memref<80x32xf32, #tpu.memory_space<vmem>>)
      %add3A_74 = arith.constant 1 : i32
      %add3A_75 = arith.addi %mul3A_24, %add3A_74 : i32
      %mul3A_76 = arith.constant 80 : i32
      %mul3A_77 = arith.muli %add3A_75, %mul3A_76 : i32
      %add3A_78 = arith.addi %mul3A_2, %mul3A_77 : i32
      "tpu.region"() ({
        %run_scoped3A = tpu.sem_alloc : memref<!tpu.dma_semaphore, #tpu.memory_space<semaphore_mem>>
        %dma_start3A_101 = arith.constant 0 : i32
        %dma_start3A_102 = tpu.memref_slice %arg4[%add3A_78, %dma_start3A_101] : memref<320000x32xf32, #tpu.memory_space<hbm>> -> memref<80x32xf32, #tpu.memory_space<hbm>>
        %dma_start3A_103 = arith.constant 0 : i32
        %dma_start3A_104 = tpu.memref_slice %arg4[%add3A_78, %dma_start3A_103] : memref<320000x32xf32, #tpu.memory_space<hbm>> -> memref<80x32xf32, #tpu.memory_space<hbm>>
        tpu.enqueue_dma source(%arg7 : memref<80x32xf32, #tpu.memory_space<vmem>>) target(%dma_start3A_104 : memref<80x32xf32, #tpu.memory_space<hbm>>) target_semaphore(%run_scoped3A : memref<!tpu.dma_semaphore, #tpu.memory_space<semaphore_mem>>)
        %dma_wait3A_105 = arith.constant 0 : i32
        %dma_wait3A_106 = tpu.memref_slice %arg4[%add3A_78, %dma_wait3A_105] : memref<320000x32xf32, #tpu.memory_space<hbm>> -> memref<80x32xf32, #tpu.memory_space<hbm>>
        %dma_wait3A_107 = arith.constant 0 : i32
        %dma_wait3A_108 = tpu.memref_slice %arg4[%add3A_78, %dma_wait3A_107] : memref<320000x32xf32, #tpu.memory_space<hbm>> -> memref<80x32xf32, #tpu.memory_space<hbm>>
        tpu.wait_dma2 semaphore(%run_scoped3A : memref<!tpu.dma_semaphore, #tpu.memory_space<semaphore_mem>>) src(%arg7 : memref<80x32xf32, #tpu.memory_space<vmem>>) dst(%dma_wait3A_108 : memref<80x32xf32, #tpu.memory_space<hbm>>)
        tpu.yield
      }) : () -> ()
      %dma_wait3A_79 = arith.constant 0 : i32
      %dma_wait3A_80 = tpu.memref_slice %arg5[%add3A_42, %dma_wait3A_79] : memref<125x80xi32, #tpu.memory_space<vmem>> -> memref<1x80xi32, #tpu.memory_space<vmem>>
      %dma_wait3A_81 = tpu.memref_squeeze %dma_wait3A_80 : memref<1x80xi32, #tpu.memory_space<vmem>> -> memref<80xi32, #tpu.memory_space<vmem>>
      %dma_wait3A_82 = arith.constant 0 : i32
      %dma_wait3A_83 = arith.constant 0 : i32
      %dma_wait3A_84 = tpu.memref_slice %arg2[%dma_wait3A_82, %dma_wait3A_83] : memref<10000x32xf32, #tpu.memory_space<hbm>> -> memref<10000x32xf32, #tpu.memory_space<hbm>>
      tpu.wait_indirect_dma semaphore(%arg12 : memref<!tpu.dma_semaphore, #tpu.memory_space<semaphore_mem>>) src(%dma_wait3A_84 : memref<10000x32xf32, #tpu.memory_space<hbm>>) dst(%arg8 : memref<80x32xf32, #tpu.memory_space<vmem>>)
      %add3A_85 = arith.constant 2 : i32
      %add3A_86 = arith.addi %mul3A_24, %add3A_85 : i32
      %mul3A_87 = arith.constant 80 : i32
      %mul3A_88 = arith.muli %add3A_86, %mul3A_87 : i32
      %add3A_89 = arith.addi %mul3A_2, %mul3A_88 : i32
      "tpu.region"() ({
        %run_scoped3A = tpu.sem_alloc : memref<!tpu.dma_semaphore, #tpu.memory_space<semaphore_mem>>
        %dma_start3A_101 = arith.constant 0 : i32
        %dma_start3A_102 = tpu.memref_slice %arg4[%add3A_89, %dma_start3A_101] : memref<320000x32xf32, #tpu.memory_space<hbm>> -> memref<80x32xf32, #tpu.memory_space<hbm>>
        %dma_start3A_103 = arith.constant 0 : i32
        %dma_start3A_104 = tpu.memref_slice %arg4[%add3A_89, %dma_start3A_103] : memref<320000x32xf32, #tpu.memory_space<hbm>> -> memref<80x32xf32, #tpu.memory_space<hbm>>
        tpu.enqueue_dma source(%arg8 : memref<80x32xf32, #tpu.memory_space<vmem>>) target(%dma_start3A_104 : memref<80x32xf32, #tpu.memory_space<hbm>>) target_semaphore(%run_scoped3A : memref<!tpu.dma_semaphore, #tpu.memory_space<semaphore_mem>>)
        %dma_wait3A_105 = arith.constant 0 : i32
        %dma_wait3A_106 = tpu.memref_slice %arg4[%add3A_89, %dma_wait3A_105] : memref<320000x32xf32, #tpu.memory_space<hbm>> -> memref<80x32xf32, #tpu.memory_space<hbm>>
        %dma_wait3A_107 = arith.constant 0 : i32
        %dma_wait3A_108 = tpu.memref_slice %arg4[%add3A_89, %dma_wait3A_107] : memref<320000x32xf32, #tpu.memory_space<hbm>> -> memref<80x32xf32, #tpu.memory_space<hbm>>
        tpu.wait_dma2 semaphore(%run_scoped3A : memref<!tpu.dma_semaphore, #tpu.memory_space<semaphore_mem>>) src(%arg8 : memref<80x32xf32, #tpu.memory_space<vmem>>) dst(%dma_wait3A_108 : memref<80x32xf32, #tpu.memory_space<hbm>>)
        tpu.yield
      }) : () -> ()
      %dma_wait3A_90 = arith.constant 0 : i32
      %dma_wait3A_91 = tpu.memref_slice %arg5[%add3A_50, %dma_wait3A_90] : memref<125x80xi32, #tpu.memory_space<vmem>> -> memref<1x80xi32, #tpu.memory_space<vmem>>
      %dma_wait3A_92 = tpu.memref_squeeze %dma_wait3A_91 : memref<1x80xi32, #tpu.memory_space<vmem>> -> memref<80xi32, #tpu.memory_space<vmem>>
      %dma_wait3A_93 = arith.constant 0 : i32
      %dma_wait3A_94 = arith.constant 0 : i32
      %dma_wait3A_95 = tpu.memref_slice %arg2[%dma_wait3A_93, %dma_wait3A_94] : memref<10000x32xf32, #tpu.memory_space<hbm>> -> memref<10000x32xf32, #tpu.memory_space<hbm>>
      tpu.wait_indirect_dma semaphore(%arg13 : memref<!tpu.dma_semaphore, #tpu.memory_space<semaphore_mem>>) src(%dma_wait3A_95 : memref<10000x32xf32, #tpu.memory_space<hbm>>) dst(%arg9 : memref<80x32xf32, #tpu.memory_space<vmem>>)
      %add3A_96 = arith.constant 3 : i32
      %add3A_97 = arith.addi %mul3A_24, %add3A_96 : i32
      %mul3A_98 = arith.constant 80 : i32
      %mul3A_99 = arith.muli %add3A_97, %mul3A_98 : i32
      %add3A_100 = arith.addi %mul3A_2, %mul3A_99 : i32
      "tpu.region"() ({
        %run_scoped3A = tpu.sem_alloc : memref<!tpu.dma_semaphore, #tpu.memory_space<semaphore_mem>>
        %dma_start3A_101 = arith.constant 0 : i32
        %dma_start3A_102 = tpu.memref_slice %arg4[%add3A_100, %dma_start3A_101] : memref<320000x32xf32, #tpu.memory_space<hbm>> -> memref<80x32xf32, #tpu.memory_space<hbm>>
        %dma_start3A_103 = arith.constant 0 : i32
        %dma_start3A_104 = tpu.memref_slice %arg4[%add3A_100, %dma_start3A_103] : memref<320000x32xf32, #tpu.memory_space<hbm>> -> memref<80x32xf32, #tpu.memory_space<hbm>>
        tpu.enqueue_dma source(%arg9 : memref<80x32xf32, #tpu.memory_space<vmem>>) target(%dma_start3A_104 : memref<80x32xf32, #tpu.memory_space<hbm>>) target_semaphore(%run_scoped3A : memref<!tpu.dma_semaphore, #tpu.memory_space<semaphore_mem>>)
        %dma_wait3A_105 = arith.constant 0 : i32
        %dma_wait3A_106 = tpu.memref_slice %arg4[%add3A_100, %dma_wait3A_105] : memref<320000x32xf32, #tpu.memory_space<hbm>> -> memref<80x32xf32, #tpu.memory_space<hbm>>
        %dma_wait3A_107 = arith.constant 0 : i32
        %dma_wait3A_108 = tpu.memref_slice %arg4[%add3A_100, %dma_wait3A_107] : memref<320000x32xf32, #tpu.memory_space<hbm>> -> memref<80x32xf32, #tpu.memory_space<hbm>>
        tpu.wait_dma2 semaphore(%run_scoped3A : memref<!tpu.dma_semaphore, #tpu.memory_space<semaphore_mem>>) src(%arg9 : memref<80x32xf32, #tpu.memory_space<vmem>>) dst(%dma_wait3A_108 : memref<80x32xf32, #tpu.memory_space<hbm>>)
        tpu.yield
      }) : () -> ()
    }
    %scan3A_7 = arith.constant 31 : i32
    %dma_start3A = arith.constant 124 : i32
    %dma_start3A_8 = arith.constant 0 : i32
    %dma_start3A_9 = tpu.memref_slice %arg5[%dma_start3A, %dma_start3A_8] : memref<125x80xi32, #tpu.memory_space<vmem>> -> memref<1x80xi32, #tpu.memory_space<vmem>>
    %dma_start3A_10 = tpu.memref_squeeze %dma_start3A_9 : memref<1x80xi32, #tpu.memory_space<vmem>> -> memref<80xi32, #tpu.memory_space<vmem>>
    %dma_start3A_11 = arith.constant 0 : i32
    %dma_start3A_12 = arith.constant 0 : i32
    %dma_start3A_13 = tpu.memref_slice %arg2[%dma_start3A_11, %dma_start3A_12] : memref<10000x32xf32, #tpu.memory_space<hbm>> -> memref<10000x32xf32, #tpu.memory_space<hbm>>
    tpu.enqueue_indirect_dma source(%dma_start3A_13 : memref<10000x32xf32, #tpu.memory_space<hbm>>) target(%arg6 : memref<80x32xf32, #tpu.memory_space<vmem>>) offsets(%dma_start3A_10 : memref<80xi32, #tpu.memory_space<vmem>>) semaphore(%arg10 : memref<!tpu.dma_semaphore, #tpu.memory_space<semaphore_mem>>)
    %dma_wait3A = arith.constant 124 : i32
    %dma_wait3A_14 = arith.constant 0 : i32
    %dma_wait3A_15 = tpu.memref_slice %arg5[%dma_wait3A, %dma_wait3A_14] : memref<125x80xi32, #tpu.memory_space<vmem>> -> memref<1x80xi32, #tpu.memory_space<vmem>>
    %dma_wait3A_16 = tpu.memref_squeeze %dma_wait3A_15 : memref<1x80xi32, #tpu.memory_space<vmem>> -> memref<80xi32, #tpu.memory_space<vmem>>
    %dma_wait3A_17 = arith.constant 0 : i32
    %dma_wait3A_18 = arith.constant 0 : i32
    %dma_wait3A_19 = tpu.memref_slice %arg2[%dma_wait3A_17, %dma_wait3A_18] : memref<10000x32xf32, #tpu.memory_space<hbm>> -> memref<10000x32xf32, #tpu.memory_space<hbm>>
    tpu.wait_indirect_dma semaphore(%arg10 : memref<!tpu.dma_semaphore, #tpu.memory_space<semaphore_mem>>) src(%dma_wait3A_19 : memref<10000x32xf32, #tpu.memory_space<hbm>>) dst(%arg6 : memref<80x32xf32, #tpu.memory_space<vmem>>)
    %add3A_20 = arith.constant 9920 : i32
    %add3A_21 = arith.addi %mul3A_2, %add3A_20 : i32
    "tpu.region"() ({
      %run_scoped3A = tpu.sem_alloc : memref<!tpu.dma_semaphore, #tpu.memory_space<semaphore_mem>>
      %dma_start3A_22 = arith.constant 0 : i32
      %dma_start3A_23 = tpu.memref_slice %arg4[%add3A_21, %dma_start3A_22] : memref<320000x32xf32, #tpu.memory_space<hbm>> -> memref<80x32xf32, #tpu.memory_space<hbm>>
      %dma_start3A_24 = arith.constant 0 : i32
      %dma_start3A_25 = tpu.memref_slice %arg4[%add3A_21, %dma_start3A_24] : memref<320000x32xf32, #tpu.memory_space<hbm>> -> memref<80x32xf32, #tpu.memory_space<hbm>>
      tpu.enqueue_dma source(%arg6 : memref<80x32xf32, #tpu.memory_space<vmem>>) target(%dma_start3A_25 : memref<80x32xf32, #tpu.memory_space<hbm>>) target_semaphore(%run_scoped3A : memref<!tpu.dma_semaphore, #tpu.memory_space<semaphore_mem>>)
      %dma_wait3A_26 = arith.constant 0 : i32
      %dma_wait3A_27 = tpu.memref_slice %arg4[%add3A_21, %dma_wait3A_26] : memref<320000x32xf32, #tpu.memory_space<hbm>> -> memref<80x32xf32, #tpu.memory_space<hbm>>
      %dma_wait3A_28 = arith.constant 0 : i32
      %dma_wait3A_29 = tpu.memref_slice %arg4[%add3A_21, %dma_wait3A_28] : memref<320000x32xf32, #tpu.memory_space<hbm>> -> memref<80x32xf32, #tpu.memory_space<hbm>>
      tpu.wait_dma2 semaphore(%run_scoped3A : memref<!tpu.dma_semaphore, #tpu.memory_space<semaphore_mem>>) src(%arg6 : memref<80x32xf32, #tpu.memory_space<vmem>>) dst(%dma_wait3A_29 : memref<80x32xf32, #tpu.memory_space<hbm>>)
      tpu.yield
    }) : () -> ()
    return
  }
}

</mosaic_0001>

<sc_bundles>
// kernel: _sc_gather1.3.cloned.1.call-start
scs
__scs_entry_jumppad:
0x0: {  	(pc) =	sbr.rel $0x88, $3  }
0x1: {  	(tag) =	ssettag $0x0;
	lr =	simm.s32 $0x1  }
0x2: {  	[smem:$0x3F9F] =	sst lr;
	_ =	strace $0xD0000000  }
0x3: {  	_ = 	snop  }
0x4: {  	_ = 	snop  }
0x5: {  	_ = 	snop  }
0x6: {  	_ = 	snop  }
0x7: {  	_ = 	snop  }
__scs_overlays_trampoline_lowered:
0x8: {  	[smem:$0x3FAE] =	sst s0  }
0x9: {  	[smem:$0x3FAF] =	sst s1  }
0xa: {  	[smem:$0x3FB0] =	sst s2  }
0xb: {  	[smem:$0x3FB1] =	sst s3  }
0xc: {  	[smem:$0x3FB2] =	sst s4  }
0xd: {  	[smem:$0x3FB3] =	sst s5  }
0xe: {  	[smem:$0x3FB4] =	sst s6  }
0xf: {  	[smem:$0x3FB5] =	sst s7  }
0x10: {  	[smem:$0x3FB6] =	sst s8  }
0x11: {  	[smem:$0x3FB7] =	sst s9;
	s0 =	simm.s32 @!p0 $0x0  }
0x12: {  	s1 =	sld [smem:$0x3F9D];
	s0 =	simm.s32 @p0 $0x1  }
0x13: {  	[smem:$0x3FB8] =	sst s0;
	s0 =	simm.s32 @!p1 $0x0  }
0x14: {  	s2 =	sld [smem:$0x3F9C];
	s0 =	simm.s32 @p1 $0x1  }
0x15: {  	[smem:$0x3FB9] =	sst s0;
	s0 =	simm.s32 @!p2 $0x0  }
0x16: {  	s3 =	sld [smem:$0x3FDB];
	s0 =	simm.s32 @p2 $0x1  }
0x17: {  	s4 =	simm.s32 $0x1BF5;
	[smem:$0x3FBB] =	sst s0  }
0x18: {  	s0 =	sld [smem:$0x3F9E];
	_ =	swait.ge [sflag:s4], $0x0  }
0x19: {  	s7 =	sld [smem:$0x3F9F]  }
0x1a: {  	s8 =	sadd.s32 $0xFFFFE003, lr  }
0x1b: {  	s9 =	sadd.s32 $0xFFFFFEF7, lr;
	s5 =	simm.s32 $0xFFFFFFFF;
	p2 =	slt.u32 s8, $0xFFFFF086  }
0x1c: {  	p1 =	slt.u32 s9, $0xF7A;
	s5 =	simm.s32 @!p2 $0x0  }
0x1d: {  	s5 =	simm.s32 @p1 $0x1;
	p0 =	seq.s32 s7, s2  }
0x1e: {  	s7 =	smul.u32 @!p0 $0xF7A, s2;
	p2 =	seq.s32 @!p0 s5, $0x0  }
0x1f: {  	s9 =	smul.u32 $0xF7A, s1;
	s8 =	simm.s32 @!p0 $0x1BF5;
	p2 =	por !p2, p0  }
0x20: {  	[sflag:s8] =	ssyncset.s32 @!p0 $0xFFFFF086;
	s6 =	sadd.s32 @!p0 s3, s7;
	s7 =	simm.s32 @!p0 $0x108  }
0x21: {  	s3 =	sadd.s32 s3, s9;
	s6 =	sadd.s32 @!p0 $0x88, s6;
	s7 =	simm.s32 @p2 $0x1082  }
0x22: {  	[simem:s7], [sflag:s8] =	dma.local @!p0 [hbm:s6], $0xF7A  }
0x23: {  	s9 =	sor.u32 $0xD0000000, s2;
	s6 =	simm.s32 $0x108;
	_ =	swait.ge @!p0 [sflag:s8], $0x0  }
0x24: {  	s3 =	sadd.s32 $0x88, s3;
	s6 =	simm.s32 @!p1 $0x1082;
	[sflag:s4] =	ssyncset.s32 $0xFFFFF086  }
0x25: {  	[simem:s6], [sflag:s4] =	dma.local [hbm:s3], $0xF7A  }
0x26: {  	[smem:$0x3F9F] =	sst s1;
	(tag) =	ssettag s2;
	_ =	strace s9  }
0x27: {  	s1 =	sld [smem:$0x3FAF]  }
0x28: {  	s2 =	sld [smem:$0x3FB0]  }
0x29: {  	s4 =	sld [smem:$0x3FB2]  }
0x2a: {  	p0 =	seq.s32 s5, $0x0;
	s5 =	sld [smem:$0x3FB3]  }
0x2b: {  	s6 =	sld [smem:$0x3FB4]  }
0x2c: {  	s7 =	sld [smem:$0x3FB5]  }
0x2d: {  	s3 =	simm.s32 $0x108;
	s8 =	sld [smem:$0x3FB6]  }
0x2e: {  	s3 =	simm.s32 @!p0 $0x1082;
	s9 =	sld [smem:$0x3FB7]  }
0x2f: {  	lr =	sadd.s32 s0, s3;
	s0 =	sld [smem:$0x3FAE]  }
0x30: {  	s3 =	sld [smem:$0x3FB1]  }
0x31: {  	[smem:$0x3FBA] =	sst s10  }
0x32: {  	s10 =	sld [smem:$0x3FB8];
	_ =	sdelay $0x3  }
0x33: {  	p0 =	seq.s32 s10, $0x1;
	s10 =	sld [smem:$0x3FBA];
	_ =	sdelay $0x3  }
0x34: {  	[smem:$0x3FBA] =	sst s10  }
0x35: {  	s10 =	sld [smem:$0x3FB9];
	_ =	sdelay $0x3  }
0x36: {  	p1 =	seq.s32 s10, $0x1;
	s10 =	sld [smem:$0x3FBA];
	_ =	sdelay $0x3  }
0x37: {  	[smem:$0x3FBA] =	sst s10  }
0x38: {  	s10 =	sld [smem:$0x3FBB]  }
0x39: {  	_ = 	snop;
	(pc) =	sbr.ind lr, $3  }
0x3a: {  	_ = 	snop  }
0x3b: {  	_ = 	snop  }
0x3c: {  	p2 =	seq.s32 s10, $0x1;
	s10 =	sld [smem:$0x3FBA]  }
0x3d: {  	_ =	shalt  }
0x3e: {  	_ =	shalt  }
0x3f: {  	_ =	shalt  }
0x40: {  	_ =	shalt  }
0x41: {  	_ =	shalt  }
0x42: {  	_ =	shalt  }
0x43: {  	_ =	shalt  }
0x44: {  	_ =	shalt  }
0x45: {  	_ =	shalt  }
0x46: {  	_ =	shalt  }
0x47: {  	_ =	shalt  }
0x48: {  	_ =	shalt  }
0x49: {  	_ =	shalt  }
0x4a: {  	_ =	shalt  }
0x4b: {  	_ =	shalt  }
0x4c: {  	_ =	shalt  }
0x4d: {  	_ =	shalt  }
0x4e: {  	_ =	shalt  }
0x4f: {  	_ =	shalt  }
0x50: {  	_ =	shalt  }
0x51: {  	_ =	shalt  }
0x52: {  	_ =	shalt  }
0x53: {  	_ =	shalt  }
0x54: {  	_ =	shalt  }
0x55: {  	_ =	shalt  }
0x56: {  	_ =	shalt  }
0x57: {  	_ =	shalt  }
0x58: {  	_ =	shalt  }
0x59: {  	_ =	shalt  }
0x5a: {  	_ =	shalt  }
0x5b: {  	_ =	shalt  }
0x5c: {  	_ =	shalt  }
0x5d: {  	_ =	shalt  }
0x5e: {  	_ =	shalt  }
0x5f: {  	_ =	shalt  }
0x60: {  	_ =	shalt  }
0x61: {  	_ =	shalt  }
0x62: {  	_ =	shalt  }
0x63: {  	_ =	shalt  }
0x64: {  	_ =	shalt  }
0x65: {  	_ =	shalt  }
0x66: {  	_ =	shalt  }
0x67: {  	_ =	shalt  }
0x68: {  	_ =	shalt  }
0x69: {  	_ =	shalt  }
0x6a: {  	_ =	shalt  }
0x6b: {  	_ =	shalt  }
0x6c: {  	_ =	shalt  }
0x6d: {  	_ =	shalt  }
0x6e: {  	_ =	shalt  }
0x6f: {  	_ =	shalt  }
0x70: {  	_ =	shalt  }
0x71: {  	_ =	shalt  }
0x72: {  	_ =	shalt  }
0x73: {  	_ =	shalt  }
0x74: {  	_ =	shalt  }
0x75: {  	_ =	shalt  }
0x76: {  	_ =	shalt  }
0x77: {  	_ =	shalt  }
0x78: {  	_ =	shalt  }
0x79: {  	_ =	shalt  }
0x7a: {  	_ =	shalt  }
0x7b: {  	_ =	shalt  }
0x7c: {  	_ =	shalt  }
0x7d: {  	_ =	shalt  }
0x7e: {  	_ =	shalt  }
0x7f: {  	_ =	shalt  }
0x80: {  	_ =	shalt  }
0x81: {  	_ =	shalt  }
0x82: {  	_ =	shalt  }
0x83: {  	_ =	shalt  }
0x84: {  	_ =	shalt  }
0x85: {  	_ =	shalt  }
0x86: {  	_ =	shalt  }
0x87: {  	_ =	shalt  }
.Lfunc_end0:
.L_simem_size_0:
called_computation.1_lowered:
.L_overlay_start_0:
0x88: {  	s2 =	sld [smem:$0x3FD9]  }
0x89: {  	s3 =	sld [smem:$0x3FFE];
	_ =	sdelay $0x1  }
0x8a: {  	s1 =	srdreg.scid  }
0x8b: {  	s0 =	sand.u32 $0x1, s1  }
0x8c: {  	s17 =	sshll.u32 s0, $0xA;
	s2 =	sadd.s32 s3, s2  }
0x8d: {  	s2 =	sadd.s32 s2, s17  }
0x8e: {  	[smem:$0x3FC6] =	sst s2  }
0x8f: {  	_ = 	snop  }
0x90: {  	s2 =	sld [smem:$0x3FD0];
	(tm) =	ssettm $0x1  }
0x91: {  	s18 =	sld [smem:$0x3FFB];
	_ =	sdelay $0x3  }
0x92: {  	_ =	strace s18  }
0x93: {  	s3 =	sld [smem:$0x3FFC];
	_ =	sdelay $0x3  }
0x94: {  	_ =	strace s3  }
0x95: {  	s3 =	sld [smem:$0x3FFD];
	_ =	sdelay $0x3  }
0x96: {  	_ =	strace s3  }
0x97: {  	_ =	strace $0x8FFFFFFF  }
0x98: {  	s19 =	sld [smem:$0x3FDB];
	_ =	sdelay $0x1  }
0x99: {  	s4 =	simm.s32 $_scs_section_size  }
0x9a: {  	s5 =	simm.s32 $_size__tile_overlayer_lowered;
	s6 =	simm.s32 $_tile_overlayer_lowered  }
0x9b: {  	s22 =	simm.s32 $0x1BFF;
	s21 =	sshll.u32 s6, $0x1;
	s3 =	sadd.s32 s4, s19  }
0x9c: {  	s7 =	simm.s32 $0x0;
	s20 =	sshll.u32 s5, $0x1;
	s5 =	sadd.s32 s21, s3  }
0x9d: {  	[timem:s7], [sflag:s22] =	dma.local [hbm:s5], s20  }
0x9e: {  	_ =	swait.ge [sflag:s22], s20  }
0x9f: {  	s4 =	ssub.s32 $0x0, s20;
	[sflag:s22] =	ssyncset.done $0x0  }
0xa0: {  	[sflag:s22] =	ssyncadd.s32 s4;
	_ =	sdelay $0x1  }
0xa1: {  	s23 =	simm.s32 $0x1B8B  }
0xa2: {  	_ =	swait.ge [sflag:s23], $0x1  }
0xa3: {  	[sflag:s23] =	ssyncset.done $0x0  }
0xa4: {  	s25 =	simm.s32 $0x1B8E;
	s24 =	sld [smem:$0x3FFE];
	[sflag:s23] =	ssyncadd.s32 $0xFFFFFFFF  }
0xa5: {  	s26 =	simm.s32 $execute0_lowered;
	[smem:$0x3FD2] =	sst s25  }
0xa6: {  	s5 =	sshll.u32 s26, $0x1;
	_ =	strace $0x80000046;
	[dreg:$0x1] =	wrdreg $0xFFFFFFFF  }
0xa7: {  	s28 =	simm.s32 $_size_execute0_lowered;
	s3 =	sadd.s32 s3, s5;
	[dreg:$0x0] =	wrdreg $0x0  }
0xa8: {  	s5 =	sshll.u32 s28, $0x1;
	[dreg:$0x2] =	wrdreg s3  }
0xa9: {  	[dreg:$0x3] =	wrdreg s5  }
0xaa: {  	[dreg:$0x4] =	wrdreg $0xC0  }
0xab: {  	_ =	task [dreg:s7], $0x5FFFF  }
0xac: {  	[dreg:$0x1] =	wrdreg $0xFFFFFFFF  }
0xad: {  	[dreg:$0x0] =	wrdreg $0x60  }
0xae: {  	[dreg:$0x2] =	wrdreg s24  }
0xaf: {  	[dreg:$0x3] =	wrdreg s2  }
0xb0: {  	[dreg:$0x4] =	wrdreg $0x9  }
0xb1: {  	_ =	task.clear_ibuf [dreg:s7], $0x5FFFF;
	_ =	strace $0x90000046  }
0xb2: {  	s29 =	simm.s32 $0x9;
	_ =	strace $0x80000048  }
0xb3: {  	_ =	swait.ge [sflag:s29], $0x1  }
0xb4: {  	[sflag:s29] =	ssyncadd.s32 $0xFFFFFFFF  }
0xb5: {  	_ =	strace $0x90000048  }
0xb6: {  	_ =	sfence  }
0xb7: {  	s30 =	sld [smem:$0x0];
	_ =	sdelay $0x2  }
0xb8: {  	s31 =	sshll.u32 s1, $0xD;
	s1 =	sshrl.u32 s1, $0x2  }
0xb9: {  	s3 =	sand.u32 $0x4000, s31;
	s1 =	sadd.s32 s1, s30  }
0xba: {  	s0 =	sor.u32 s3, s0;
	s1 =	sshll.u32 s1, $0x11  }
0xbb: {  	s0 =	sor.u32 s1, s0  }
0xbc: {  	s0 =	sadd.s32 $0x8F2B, s0  }
0xbd: {  	[sflag:s0] =	ssyncadd.remote.s32 $0x1  }
0xbe: {  	_ =	sfence.sel $0xFFFF  }
0xbf: {  	[dreg:$0x0] =	wrdreg $0xFFFFFFFF;
	(pc) =	sbr.abs _section_cstart, $3  }
0xc0: {  	[dreg:$0x1] =	wrdreg $0xFFFFFFFF  }
0xc1: {  	_ =	task.clear_ibuf [dreg:s7], $0x2FFFF;
	_ =	strace $0x9FFFFFFF  }
0xc2: {  	(tm) =	ssettm $0x7FFFFFFF  }
0xc3: {  	_ =	shalt  }
tec
execute0_lowered:
.L_overlay_start_1:
0x0: {  	(tag) =	ssettag $0x1  }
0x1: {  	s4 =	rddreg [dreg:$0x0]  }
0x2: {  	s8 =	rddreg [dreg:$0x1]  }
0x3: {  	s0 =	rddreg [dreg:$0x2]  }
0x4: {  	s3 =	srdreg.scid;
	s1 =	stileid.u32;
	s2 =	simm.s32 $0x0  }
0x5: {  	s13 =	simm.s32 $0x2710;
	s14 =	simm.s32 $0x3110;
	s15 =	simm.s32 $0x3B10  }
0x6: {  	s16 =	simm.s32 $0x4510;
	s17 =	simm.s32 $0x1;
	s18 =	simm.s32 $0x2  }
0x7: {  	s19 =	simm.s32 $0x3;
	s20 =	simm.s32 $0x4;
	s11 =	smul.u32 $0x4E20, s1  }
0x8: {  	s21 =	simm.s32 $0x26C0;
	s5 =	sand.u32 $0x1, s3;
	s30 =	smul.u32 $0x13880, s1  }
0x9: {  	s22 =	simm.s32 $0x0;
	s26 =	sshll.u32 s1, $0x1;
	s29 =	smul.u32 $0x2710, s5  }
0xa: {  	[smem:$0x7FF] =	sst s2;
	s6 =	sor.u32 s5, s26;
	s12 =	smul.u32 $0x9C40, s5  }
0xb: {  	s3 =	sadd.s32 $0xA800, s4;
	s9 =	ssub.s32 $0x2, s5;
	s7 =	smul.u32 $0x2710, s6  }
0xc: {  	_ =	strace $0x80000047;
	s6 =	smul.u32 $0x4E200, s6;
	s10 =	sshrl.u32 s9, $0x1  }
0xd: {  	s28 =	ssub.s32 s9, s10;
	s9 =	sadd.s32 s29, s11;
	s10 =	sadd.s32 s30, s8  }
0xe: {  	s11 =	simm.s32 $0x5;
	s7 =	sshrl.u32 s7, $0x3;
	s6 =	sshrl.u32 s6, $0x3  }
0xf: {  	s9 =	sshll.u32 s9, $0x2;
	s4 =	sadd.s32 s7, s4;
	s6 =	sadd.s32 s8, s6  }
0x10: {  	s7 =	sadd.s32 s12, s10;
	s31 =	sadd.s32 s8, s9;
	s12 =	simm.s32 $0x50  }
0x11: {  	s4 =	sadd.s32 $0xA00, s4;
	s5 =	sadd.s32 $0x9B00, s6;
	s6 =	smax.u32 s28, $0x1  }
0x12: {  	s8 =	sadd.s32 $0x3C0, s31;
	s9 =	sadd.s32 $0x280, s31;
	s10 =	sadd.s32 $0x140, s31  }
.LBB2_1:
0x13: {  	[tilespmem:s2], [sflag:$0x5] =	stream.linear.gather [hbm4b:s4+s2], $0x2710, $0x38;
	[tilespmem:$0x4F10] =	vst v63  }
0x14: {  	_ =	swait.ge [sflag:s11], $0x2710  }
0x15: {  	[sflag:s11] =	ssyncset.done $0x0  }
0x16: {  	s23 =	simm.s32 $0x0;
	[sflag:s11] =	ssyncadd.s32 $0xFFFFD8F0  }
0x17: {  	[tilespmem:s13], [sflag:$0x1] =	stream.indirect.gather [hbm4b:s3+s12], $0x20, s23, s12, $0xb8;
	[tilespmem:$0x4F10] =	vst v63  }
0x18: {  	s24 =	simm.s32 $0x50  }
0x19: {  	[tilespmem:s14], [sflag:$0x2] =	stream.indirect.gather [hbm4b:s3+s12], $0x20, s24, s12, $0xb8;
	[tilespmem:$0x4F10] =	vst v63  }
0x1a: {  	s25 =	simm.s32 $0xA0  }
0x1b: {  	[tilespmem:s15], [sflag:$0x3] =	stream.indirect.gather [hbm4b:s3+s12], $0x20, s25, s12, $0xb8;
	[tilespmem:$0x4F10] =	vst v63  }
0x1c: {  	s26 =	simm.s32 $0xF0  }
0x1d: {  	[tilespmem:s16], [sflag:$0x4] =	stream.indirect.gather [hbm4b:s3+s12], $0x20, s26, s12, $0xb8;
	[tilespmem:$0x4F10] =	vst v63  }
0x1e: {  	_ =	swait.ge [sflag:s17], $0xA00  }
0x1f: {  	[sflag:s17] =	ssyncset.done $0x0  }
0x20: {  	s28 =	sadd.s32 $0x0, s7;
	[sflag:s17] =	ssyncadd.s32 $0xFFFFF600  }
0x21: {  	[hbm4b:s28+s2] =	stream.linear.scatter [tilespmem:s13], [sflag:$0x5], $0xA00, $0x38;
	[tilespmem:$0x4F10] =	vst v63  }
0x22: {  	_ =	swait.ge [sflag:s11], $0xA00  }
0x23: {  	[sflag:s11] =	ssyncset.done $0x0  }
0x24: {  	[sflag:s11] =	ssyncadd.s32 $0xFFFFF600  }
0x25: {  	_ =	swait.ge [sflag:s18], $0xA00  }
0x26: {  	[sflag:s18] =	ssyncset.done $0x0  }
0x27: {  	s29 =	sadd.s32 $0x0, s10;
	[sflag:s18] =	ssyncadd.s32 $0xFFFFF600  }
0x28: {  	[hbm4b:s29+s2] =	stream.linear.scatter [tilespmem:s14], [sflag:$0x5], $0xA00, $0x38;
	[tilespmem:$0x4F10] =	vst v63  }
0x29: {  	_ =	swait.ge [sflag:s11], $0xA00  }
0x2a: {  	[sflag:s11] =	ssyncset.done $0x0  }
0x2b: {  	[sflag:s11] =	ssyncadd.s32 $0xFFFFF600  }
0x2c: {  	_ =	swait.ge [sflag:s19], $0xA00  }
0x2d: {  	[sflag:s19] =	ssyncset.done $0x0  }
0x2e: {  	s30 =	sadd.s32 $0x0, s9;
	[sflag:s19] =	ssyncadd.s32 $0xFFFFF600  }
0x2f: {  	[hbm4b:s30+s2] =	stream.linear.scatter [tilespmem:s15], [sflag:$0x5], $0xA00, $0x38;
	[tilespmem:$0x4F10] =	vst v63  }
0x30: {  	_ =	swait.ge [sflag:s11], $0xA00  }
0x31: {  	[sflag:s11] =	ssyncset.done $0x0  }
0x32: {  	[sflag:s11] =	ssyncadd.s32 $0xFFFFF600  }
0x33: {  	_ =	swait.ge [sflag:s20], $0xA00  }
0x34: {  	[sflag:s20] =	ssyncset.done $0x0  }
0x35: {  	s31 =	sadd.s32 $0x0, s8;
	[sflag:s20] =	ssyncadd.s32 $0xFFFFF600  }
0x36: {  	[hbm4b:s31+s2] =	stream.linear.scatter [tilespmem:s16], [sflag:$0x5], $0xA00, $0x38;
	[tilespmem:$0x4F10] =	vst v63  }
0x37: {  	_ =	swait.ge [sflag:s11], $0xA00  }
0x38: {  	s23 =	simm.s32 $0x500;
	s26 =	simm.s32 $0xA00;
	[sflag:s11] =	ssyncset.done $0x0  }
.LBB2_2:
0x39: {  	s28 =	sshra.s32 s23, $0x2  }
0x3a: {  	[sflag:s11] =	ssyncadd.s32 $0xFFFFF600;
	s25 =	smov.u32 s26;
	s24 =	sadd.s32 $0x500, s26  }
0x3b: {  	[tilespmem:s13], [sflag:$0x1] =	stream.indirect.gather [hbm4b:s3+s12], $0x20, s28, s12, $0xb8;
	[tilespmem:$0x4F10] =	vst v63  }
0x3c: {  	p0 =	sne.s32 s26, $0x9600;
	s26 =	sadd.s32 $0x50, s28  }
0x3d: {  	[tilespmem:s14], [sflag:$0x2] =	stream.indirect.gather [hbm4b:s3+s12], $0x20, s26, s12, $0xb8;
	[tilespmem:$0x4F10] =	vst v63  }
0x3e: {  	s26 =	sadd.s32 $0xA0, s28  }
0x3f: {  	[tilespmem:s15], [sflag:$0x3] =	stream.indirect.gather [hbm4b:s3+s12], $0x20, s26, s12, $0xb8;
	[tilespmem:$0x4F10] =	vst v63  }
0x40: {  	s26 =	sadd.s32 $0xF0, s28  }
0x41: {  	[tilespmem:s16], [sflag:$0x4] =	stream.indirect.gather [hbm4b:s3+s12], $0x20, s26, s12, $0xb8;
	[tilespmem:$0x4F10] =	vst v63  }
0x42: {  	_ =	swait.ge [sflag:s17], $0xA00  }
0x43: {  	[sflag:s17] =	ssyncset.done $0x0  }
0x44: {  	s26 =	sadd.s32 s23, s7;
	[sflag:s17] =	ssyncadd.s32 $0xFFFFF600  }
0x45: {  	[hbm4b:s26+s2] =	stream.linear.scatter [tilespmem:s13], [sflag:$0x5], $0xA00, $0x38;
	[tilespmem:$0x4F10] =	vst v63  }
0x46: {  	_ =	swait.ge [sflag:s11], $0xA00  }
0x47: {  	[sflag:s11] =	ssyncset.done $0x0  }
0x48: {  	[sflag:s11] =	ssyncadd.s32 $0xFFFFF600  }
0x49: {  	_ =	swait.ge [sflag:s18], $0xA00  }
0x4a: {  	[sflag:s18] =	ssyncset.done $0x0  }
0x4b: {  	s26 =	sadd.s32 s23, s10;
	[sflag:s18] =	ssyncadd.s32 $0xFFFFF600  }
0x4c: {  	[hbm4b:s26+s2] =	stream.linear.scatter [tilespmem:s14], [sflag:$0x5], $0xA00, $0x38;
	[tilespmem:$0x4F10] =	vst v63  }
0x4d: {  	_ =	swait.ge [sflag:s11], $0xA00  }
0x4e: {  	[sflag:s11] =	ssyncset.done $0x0  }
0x4f: {  	[sflag:s11] =	ssyncadd.s32 $0xFFFFF600  }
0x50: {  	_ =	swait.ge [sflag:s19], $0xA00  }
0x51: {  	[sflag:s19] =	ssyncset.done $0x0  }
0x52: {  	s26 =	sadd.s32 s23, s9;
	[sflag:s19] =	ssyncadd.s32 $0xFFFFF600  }
0x53: {  	[hbm4b:s26+s2] =	stream.linear.scatter [tilespmem:s15], [sflag:$0x5], $0xA00, $0x38;
	[tilespmem:$0x4F10] =	vst v63  }
0x54: {  	_ =	swait.ge [sflag:s11], $0xA00  }
0x55: {  	[sflag:s11] =	ssyncset.done $0x0  }
0x56: {  	[sflag:s11] =	ssyncadd.s32 $0xFFFFF600  }
0x57: {  	_ =	swait.ge [sflag:s20], $0xA00  }
.Ltmp0:
0x58: {  	[sflag:s20] =	ssyncset.done $0x0;
	(pc) =	sbr.rel @p0 .LBB2_2-.Ltmp0, $4  }
0x59: {  	s26 =	sadd.s32 s23, s8;
	s23 =	smov.u32 s25;
	[sflag:s20] =	ssyncadd.s32 $0xFFFFF600  }
0x5a: {  	[hbm4b:s26+s2] =	stream.linear.scatter [tilespmem:s16], [sflag:$0x5], $0xA00, $0x38;
	[tilespmem:$0x4F10] =	vst v63  }
0x5b: {  	_ =	swait.ge [sflag:s11], $0xA00  }
0x5c: {  	s26 =	smov.u32 s24;
	[sflag:s11] =	ssyncset.done $0x0  }
0x5d: {  	s24 =	sshra.s32 s23, $0x2;
	[sflag:s11] =	ssyncadd.s32 $0xFFFFF600  }
0x5e: {  	[tilespmem:s13], [sflag:$0x1] =	stream.indirect.gather [hbm4b:s3+s12], $0x20, s24, s12, $0xb8;
	[tilespmem:$0x4F10] =	vst v63  }
0x5f: {  	s25 =	sadd.s32 $0x50, s24  }
0x60: {  	[tilespmem:s14], [sflag:$0x2] =	stream.indirect.gather [hbm4b:s3+s12], $0x20, s25, s12, $0xb8;
	[tilespmem:$0x4F10] =	vst v63  }
0x61: {  	s26 =	sadd.s32 $0xA0, s24  }
0x62: {  	[tilespmem:s15], [sflag:$0x3] =	stream.indirect.gather [hbm4b:s3+s12], $0x20, s26, s12, $0xb8;
	[tilespmem:$0x4F10] =	vst v63  }
0x63: {  	s24 =	sadd.s32 $0xF0, s24  }
0x64: {  	[tilespmem:s16], [sflag:$0x4] =	stream.indirect.gather [hbm4b:s3+s12], $0x20, s24, s12, $0xb8;
	[tilespmem:$0x4F10] =	vst v63  }
0x65: {  	_ =	swait.ge [sflag:s17], $0xA00  }
0x66: {  	[sflag:s17] =	ssyncset.done $0x0  }
0x67: {  	s28 =	sadd.s32 s23, s7;
	[sflag:s17] =	ssyncadd.s32 $0xFFFFF600  }
0x68: {  	[hbm4b:s28+s2] =	stream.linear.scatter [tilespmem:s13], [sflag:$0x5], $0xA00, $0x38;
	[tilespmem:$0x4F10] =	vst v63  }
0x69: {  	_ =	swait.ge [sflag:s11], $0xA00  }
0x6a: {  	[sflag:s11] =	ssyncset.done $0x0  }
0x6b: {  	[sflag:s11] =	ssyncadd.s32 $0xFFFFF600  }
0x6c: {  	_ =	swait.ge [sflag:s18], $0xA00  }
0x6d: {  	[sflag:s18] =	ssyncset.done $0x0  }
0x6e: {  	s29 =	sadd.s32 s23, s10;
	[sflag:s18] =	ssyncadd.s32 $0xFFFFF600  }
0x6f: {  	[hbm4b:s29+s2] =	stream.linear.scatter [tilespmem:s14], [sflag:$0x5], $0xA00, $0x38;
	[tilespmem:$0x4F10] =	vst v63  }
0x70: {  	_ =	swait.ge [sflag:s11], $0xA00  }
0x71: {  	[sflag:s11] =	ssyncset.done $0x0  }
0x72: {  	[sflag:s11] =	ssyncadd.s32 $0xFFFFF600  }
0x73: {  	_ =	swait.ge [sflag:s19], $0xA00  }
0x74: {  	[sflag:s19] =	ssyncset.done $0x0  }
0x75: {  	s30 =	sadd.s32 s23, s9;
	[sflag:s19] =	ssyncadd.s32 $0xFFFFF600  }
0x76: {  	[hbm4b:s30+s2] =	stream.linear.scatter [tilespmem:s15], [sflag:$0x5], $0xA00, $0x38;
	[tilespmem:$0x4F10] =	vst v63  }
0x77: {  	_ =	swait.ge [sflag:s11], $0xA00  }
0x78: {  	[sflag:s11] =	ssyncset.done $0x0  }
0x79: {  	[sflag:s11] =	ssyncadd.s32 $0xFFFFF600  }
0x7a: {  	_ =	swait.ge [sflag:s20], $0xA00  }
0x7b: {  	[sflag:s20] =	ssyncset.done $0x0  }
0x7c: {  	s31 =	sadd.s32 s23, s8;
	[sflag:s20] =	ssyncadd.s32 $0xFFFFF600  }
0x7d: {  	[hbm4b:s31+s2] =	stream.linear.scatter [tilespmem:s16], [sflag:$0x5], $0xA00, $0x38;
	[tilespmem:$0x4F10] =	vst v63  }
0x7e: {  	_ =	swait.ge [sflag:s11], $0xA00  }
0x7f: {  	[sflag:s11] =	ssyncset.done $0x0  }
0x80: {  	[sflag:s11] =	ssyncadd.s32 $0xFFFFF600  }
0x81: {  	[tilespmem:s13], [sflag:$0x1] =	stream.indirect.gather [hbm4b:s3+s12], $0x20, s21, s12, $0xb8;
	[tilespmem:$0x4F10] =	vst v63  }
0x82: {  	s22 =	sadd.s32 $0x1, s22;
	_ =	swait.ge [sflag:s17], $0xA00  }
0x83: {  	p0 =	sne.s32 s22, s6;
	[sflag:s17] =	ssyncset.done $0x0  }
.Ltmp1:
0x84: {  	[sflag:s17] =	ssyncadd.s32 $0xFFFFF600;
	(pc) =	sbr.rel @p0 .LBB2_1-.Ltmp1, $4  }
0x85: {  	[hbm4b:s5+s2] =	stream.linear.scatter [tilespmem:s13], [sflag:$0x5], $0xA00, $0x38;
	[tilespmem:$0x4F10] =	vst v63  }
0x86: {  	_ =	swait.ge [sflag:s11], $0xA00  }
0x87: {  	[sflag:s11] =	ssyncset.done $0x0  }
0x88: {  	[sflag:s11] =	ssyncadd.s32 $0xFFFFF600  }
0x89: {  	_ =	sfence.sel $0x180000  }
0x8a: {  	[bflag:$0x0] =	sbarrier.arrive $0xFFFF  }
0x8b: {  	p0 =	sne.s32 s1, $0x0;
	_ =	strace $0x90000047  }
0x8c: {  	s0 =	sadd.s32 @!p0 $0x100000, s0;
	[bflag:$0x2] =	sbarrier.arrive $0xFFFF  }
0x8d: {  	[sflag:s0] =	ssyncadd.tile.s32 @!p0 $0x1;
	_ =	shalt  }
.Lfunc_end2:
_tile_overlayer_lowered:
.L_overlay_start_2:
0x8e: {  	(tag) =	ssettag $0x2  }
0x8f: {  	s0 =	rddreg [dreg:$0x0];
	s2 =	stileid.u32  }
0x90: {  	s1 =	rddreg [dreg:$0x1];
	p0 =	sne.s32 s2, $0x0  }
0x91: {  	s3 =	rddreg [dreg:$0x2];
	[bflag:$0x3] =	sbarrier.arrive $0xFFFF;
	s2 =	simm.s32 @!p0 $0x1C05  }
0x92: {  	[timem:s3], [sflag:s2] =	dma.local @!p0 [hbm:s0], s1  }
0x93: {  	s0 =	simm.s32 @!p0 $0x5  }
0x94: {  	_ =	swait.ge @!p0 [sflag:s0], s1  }
0x95: {  	s1 =	ssub.s32 @!p0 $0x0, s1;
	[sflag:s0] =	ssyncset.done @!p0 $0x0  }
0x96: {  	[sflag:s0] =	ssyncadd.s32 @!p0 s1  }
0x97: {  	[bflag:$0x3] =	sbarrier.arrive $0xFFFF  }
0x98: {  	_ =	shalt  }

// kernel: sparse-core-data-format-call.cloned.1.call-start
scs
called_computation_lowered:
.L_overlay_start_0:
0x0: {  	s2 =	sld [smem:$0x3FD9]  }
0x1: {  	s3 =	sld [smem:$0x3FFE];
	_ =	sdelay $0x1  }
0x2: {  	s1 =	srdreg.scid  }
0x3: {  	s0 =	sand.u32 $0x1, s1  }
0x4: {  	s18 =	sshll.u32 s0, $0xA;
	s2 =	sadd.s32 s3, s2  }
0x5: {  	s2 =	sadd.s32 s2, s18  }
0x6: {  	[smem:$0x3FC6] =	sst s2  }
0x7: {  	_ = 	snop  }
0x8: {  	s2 =	sld [smem:$0x3FD0];
	(tm) =	ssettm $0x1  }
0x9: {  	s19 =	sld [smem:$0x3FFB];
	_ =	sdelay $0x3  }
0xa: {  	_ =	strace s19  }
0xb: {  	s3 =	sld [smem:$0x3FFC];
	_ =	sdelay $0x3  }
0xc: {  	_ =	strace s3  }
0xd: {  	s3 =	sld [smem:$0x3FFD];
	_ =	sdelay $0x3  }
0xe: {  	_ =	strace s3  }
0xf: {  	_ =	strace $0x8FFFFFFF  }
0x10: {  	s20 =	sld [smem:$0x3FDB];
	_ =	sdelay $0x1  }
0x11: {  	s4 =	simm.s32 $_scs_section_size  }
0x12: {  	s5 =	simm.s32 $_size__tile_overlayer_lowered;
	s6 =	simm.s32 $_tile_overlayer_lowered  }
0x13: {  	s23 =	simm.s32 $0x1BFF;
	s22 =	sshll.u32 s6, $0x1;
	s3 =	sadd.s32 s4, s20  }
0x14: {  	s7 =	simm.s32 $0x0;
	s21 =	sshll.u32 s5, $0x1;
	s5 =	sadd.s32 s22, s3  }
0x15: {  	[timem:s7], [sflag:s23] =	dma.local [hbm:s5], s21  }
0x16: {  	_ =	swait.ge [sflag:s23], s21  }
0x17: {  	s4 =	ssub.s32 $0x0, s21;
	[sflag:s23] =	ssyncset.done $0x0  }
0x18: {  	[sflag:s23] =	ssyncadd.s32 s4;
	_ =	sdelay $0x1  }
0x19: {  	s24 =	simm.s32 $0x1B8B  }
0x1a: {  	_ =	swait.ge [sflag:s24], $0x1  }
0x1b: {  	[sflag:s24] =	ssyncset.done $0x0  }
0x1c: {  	s26 =	simm.s32 $0x1B8E;
	s25 =	sld [smem:$0x3FFE];
	[sflag:s24] =	ssyncadd.s32 $0xFFFFFFFF  }
0x1d: {  	s27 =	simm.s32 $execute0_lowered;
	[smem:$0x3FD2] =	sst s26  }
0x1e: {  	s5 =	sshll.u32 s27, $0x1;
	_ =	strace $0x80000049;
	[dreg:$0x1] =	wrdreg $0xFFFFFFFF  }
0x1f: {  	s28 =	simm.s32 $_size_execute0_lowered;
	s3 =	sadd.s32 s3, s5;
	[dreg:$0x0] =	wrdreg $0x0  }
0x20: {  	s5 =	sshll.u32 s28, $0x1;
	[dreg:$0x2] =	wrdreg s3  }
0x21: {  	[dreg:$0x3] =	wrdreg s5  }
0x22: {  	[dreg:$0x4] =	wrdreg $0xC0  }
0x23: {  	_ =	task [dreg:s7], $0x5FFFF  }
0x24: {  	[dreg:$0x1] =	wrdreg $0xFFFFFFFF  }
0x25: {  	[dreg:$0x0] =	wrdreg $0x60  }
0x26: {  	[dreg:$0x2] =	wrdreg s25  }
0x27: {  	[dreg:$0x3] =	wrdreg s2  }
0x28: {  	[dreg:$0x4] =	wrdreg $0x9  }
0x29: {  	_ =	task.clear_ibuf [dreg:s7], $0x5FFFF;
	_ =	strace $0x90000049  }
0x2a: {  	s29 =	simm.s32 $0x9;
	_ =	strace $0x8000004B  }
0x2b: {  	_ =	swait.ge [sflag:s29], $0x1  }
0x2c: {  	[sflag:s29] =	ssyncadd.s32 $0xFFFFFFFF  }
0x2d: {  	_ =	strace $0x9000004B  }
0x2e: {  	_ =	sfence  }
0x2f: {  	s30 =	sld [smem:$0x0];
	_ =	sdelay $0x2  }
0x30: {  	s31 =	sshll.u32 s1, $0xD;
	s1 =	sshrl.u32 s1, $0x2  }
0x31: {  	s3 =	sand.u32 $0x4000, s31;
	s1 =	sadd.s32 s1, s30  }
0x32: {  	s0 =	sor.u32 s3, s0;
	s1 =	sshll.u32 s1, $0x11  }
0x33: {  	s0 =	sor.u32 s1, s0  }
0x34: {  	s0 =	sadd.s32 $0x8F2B, s0  }
0x35: {  	[sflag:s0] =	ssyncadd.remote.s32 $0x1  }
0x36: {  	_ =	sfence.sel $0xFFFF  }
0x37: {  	[dreg:$0x0] =	wrdreg $0xFFFFFFFF;
	(pc) =	sbr.abs _section_cstart, $3  }
0x38: {  	[dreg:$0x1] =	wrdreg $0xFFFFFFFF  }
0x39: {  	_ =	task.clear_ibuf [dreg:s7], $0x2FFFF;
	_ =	strace $0x9FFFFFFF  }
0x3a: {  	(tm) =	ssettm $0x7FFFFFFF  }
0x3b: {  	_ =	shalt  }
tec
execute0_lowered:
.L_overlay_start_1:
0x0: {  	(tag) =	ssettag $0x1  }
0x1: {  	s0 =	srdreg.scid  }
0x2: {  	s1 =	sshll.u32 s0, $0x4  }
0x3: {  	s4 =	rddreg [dreg:$0x0];
	s0 =	stileid.u32;
	s1 =	sand.u32 $0x10, s1  }
0x4: {  	s2 =	rddreg [dreg:$0x1];
	s7 =	simm.s32 $0x1;
	s1 =	sor.u32 s0, s1  }
0x5: {  	s8 =	simm.s32 $0x2;
	s11 =	simm.s32 $0x0;
	s3 =	sshll.u32 s1, $0x7  }
0x6: {  	s10 =	simm.s32 $0x0;
	s4 =	sadd.s32 $0xA00, s4;
	s6 =	ssub.s32 $0x4E200, s3  }
.Ltmp0:
0x7: {  	s1 =	rddreg [dreg:$0x2];
	s5 =	sand.u32 $0xF80, s6;
	(pc) =	sbr.rel .LBB1_1-.Ltmp0, $4  }
0x8: {  	_ =	strace $0x8000004A;
	s9 =	smov.u32 s3;
	p0 =	sne.s32 s5, $0x0  }
0x9: {  	s6 =	sshrl.u32 s6, $0xC;
	s5 =	simm.s32 $0x1;
	s7 =	simm.s32 @!p0 $0x0  }
0xa: {  	[sflag:s5] =	ssyncpa.u1 $0x0;
	p0 =	por $0x0, $0x0;
	s6 =	sadd.s32 s7, s6  }
0xb: {  	[sflag:s8] =	ssyncpa.u1 $0x0;
	s8 =	simm.s32 $0x271000;
	s7 =	sadd.s32 $0x1, s6  }
.LBB1_4:
0xc: {  	s14 =	sshll.u32 s11, $0x3  }
0xd: {  	s30 =	sand.u32 $0x7F, s11;
	s14 =	sand.u32 $0xFFFFFC00, s14  }
0xe: {  	s11 =	sor.u32 s30, s14  }
0xf: {  	s15 =	smulhi.u32 $0xD1B71759, s11;
	_ =	sdelay $0x1  }
0x10: {  	s14 =	smulhi.u32 $0xD1B71759, s14;
	s15 =	sshrl.u32 s15, $0x12  }
0x11: {  	s15 =	smul.u32 $0x4E200, s15  }
0x12: {  	s14 =	sshrl.u32 s14, $0x12  }
0x13: {  	s14 =	sand.u32 $0x1F, s14;
	s11 =	ssub.s32 s11, s15  }
0x14: {  	s14 =	smul.u32 $0x9C40, s14;
	s15 =	sshrl.u32 s11, $0x3;
	s11 =	sand.u32 $0x7, s11  }
0x15: {  	s15 =	sadd.s32 s2, s15;
	s11 =	sshll.u32 s11, $0x12  }
0x16: {  	[tilespmem:s13+$0x0 ss:$0x81] =	vst.msk $0xffff, v0;
	s31 =	sadd.s32 s14, s15;
	s11 =	sor.u32 $0x400, s11  }
0x17: {  	[hbm4b:s31+s11] =	stream.strided.scatter [tilespmem:s12], [sflag:$0x2], $0x1000, s8, s11, $0x20;
	[tilespmem:$0x4040] =	vst v63  }
.LBB1_5:
0x18: {  	s13 =	sadd.s32 $0x1000, s9  }
0x19: {  	p2 =	sgt.s32 s13, $0x4E1FF  }
0x1a: {  	s13 =	smov.u32 @p2 s3;
	p2 =	sne.s32 s10, s7  }
.Ltmp1:
0x1b: {  	p1 =	slt.u32 s10, $0x2;
	(pc) =	sbr.rel @!p2 .LBB1_6-.Ltmp1, $4  }
0x1c: {  	s12 =	simm.s32 @!p1 $0x2  }
0x1d: {  	s14 =	sadd.s32 $0x1, s10;
	_ =	swait.ge @!p1 [sflag:s12], $0x1000  }
0x1e: {  	s11 =	smov.u32 s9;
	p0 =	por !p0, !p0;
	[sflag:s12] =	ssyncset.done @!p1 $0x0  }
0x1f: {  	s10 =	smov.u32 s14;
	s9 =	smov.u32 s13;
	[sflag:s12] =	ssyncadd.s32 @!p1 $0xFFFFF000  }
.LBB1_1:
0x20: {  	p1 =	sge.u32 s10, s6  }
0x21: {  	s12 =	sand.u32 @!p1 $0x1FFFFFF, s9  }
0x22: {  	s13 =	smulhi.u32 @!p1 $0x1A36E2F, s12;
	_ =	sdelay $0x1  }
0x23: {  	s13 =	sshrl.u32 @!p1 s13, $0xB  }
0x24: {  	s13 =	smul.u32 @!p1 $0x4E200, s13;
	_ =	sdelay $0x1  }
0x25: {  	s31 =	sadd.s32 $0xFFFFFFFF, s10;
	s14 =	sxor.u32 @!p1 $0xFFFFFFFF, s10;
	s12 =	ssub.s32 @!p1 s12, s13  }
0x26: {  	s15 =	simm.s32 @!p1 $0x80;
	s14 =	sshll.u32 @!p1 s14, $0xC;
	s12 =	sshll.u32 @!p1 s12, $0x4  }
0x27: {  	s13 =	sand.u32 @!p1 $0x1000, s14;
	s14 =	simm.s32 @!p1 $0x20;
	s12 =	sadd.s32 @!p1 s4, s12  }
0x28: {  	[tilespmem:s13], [sflag:$0x1] =	stream.strided.gather @!p1 [hbm4b:s12+s14], $0x1000, s15, s14, $0x38;
	[tilespmem:$0x4040] =	vst v63  }
0x29: {  	p1 =	sge.u32 s31, s6  }
.Ltmp2:
0x2a: {  	_ = 	snop;
	(pc) =	sbr.rel @p1 .LBB1_5-.Ltmp2, $1  }
0x2b: {  	_ =	sdelay $0x3  }
0x2c: {  	s12 =	simm.s32 $0x1  }
0x2d: {  	_ =	swait.ge [sflag:s5], $0x1000;
	s12 =	simm.s32 @!p0 $0x0  }
0x2e: {  	[sflag:s5] =	ssyncset.done $0x0;
	s13 =	sshll.u32 s12, $0xC  }
0x2f: {  	[sflag:s5] =	ssyncadd.s32 $0xFFFFF000;
	s16 =	sor.u32 $0x10, s13  }
0x30: {  	s12 =	smul.u32 $0x4080, s12;
	v1 =	vld [tilespmem:s16+$0x0]  }
0x31: {  	s30 =	sand.u32 $0x1, s10;
	v0 =	vld [tilespmem:s16+$0xFFFFFFF0]  }
0x32: {  	s13 =	smul.u32 $0x4080, s30;
	s12 =	sshrl.u32 s12, $0x2  }
0x33: {  	s14 =	sor.u32 $0x2000, s12  }
0x34: {  	s31 =	sshrl.u32 s13, $0x2;
	s13 =	sadd.s32 $0x0, s14  }
0x35: {  	s15 =	simm.s32 $0x4;
	s16 =	sadd.s32 $0x20, s16;
	s12 =	sor.u32 $0x2000, s31;
	[tilespmem:s13+$0x810 ss:$0x81] =	vst.msk $0xffff, v1  }
.LBB1_3:
0x36: {  	v1 =	vld [tilespmem:s16+$0x0];
	p1 =	sne.s32 s15, $0x1FC;
	[tilespmem:s13+$0x0 ss:$0x81] =	vst.msk $0xffff, v0;
	s13 =	smov.u32 s15;
	s15 =	sadd.s32 $0x4, s15  }
.Ltmp3:
0x37: {  	v0 =	vld [tilespmem:s16+$0xFFFFFFF0];
	(pc) =	sbr.rel @p1 .LBB1_3-.Ltmp3, $4  }
0x38: {  	_ = 	snop  }
0x39: {  	s13 =	sshra.s32 s13, $0x2  }
0x3a: {  	s13 =	sadd.s32 s13, s14  }
0x3b: {  	s16 =	sadd.s32 $0x20, s16;
	[tilespmem:s13+$0x810 ss:$0x81] =	vst.msk $0xffff, v1  }
.Ltmp4:
0x3c: {  	_ = 	snop;
	(pc) =	sbr.rel .LBB1_4-.Ltmp4, $1  }
0x3d: {  	_ =	sdelay $0x3  }
.LBB1_6:
0x3e: {  	_ =	sfence.sel $0x180000  }
0x3f: {  	s2 =	simm.s32 $0x1;
	[bflag:$0x0] =	sbarrier.arrive $0xFFFF  }
0x40: {  	s31 =	simm.s32 $0x2;
	[sflag:s2] =	ssyncpa.u1 $0x1  }
0x41: {  	[sflag:s31] =	ssyncpa.u1 $0x1  }
0x42: {  	p0 =	sne.s32 s0, $0x0;
	_ =	strace $0x9000004A  }
0x43: {  	s0 =	sadd.s32 @!p0 $0x100000, s1;
	[bflag:$0x2] =	sbarrier.arrive $0xFFFF  }
0x44: {  	[sflag:s0] =	ssyncadd.tile.s32 @!p0 $0x1;
	_ =	shalt  }
.Lfunc_end1:
_tile_overlayer_lowered:
.L_overlay_start_2:
0x45: {  	(tag) =	ssettag $0x2  }
0x46: {  	s0 =	rddreg [dreg:$0x0];
	s2 =	stileid.u32  }
0x47: {  	s1 =	rddreg [dreg:$0x1];
	p0 =	sne.s32 s2, $0x0  }
0x48: {  	s3 =	rddreg [dreg:$0x2];
	[bflag:$0x3] =	sbarrier.arrive $0xFFFF;
	s2 =	simm.s32 @!p0 $0x1C01  }
0x49: {  	[timem:s3], [sflag:s2] =	dma.local @!p0 [hbm:s0], s1  }
0x4a: {  	s0 =	simm.s32 @!p0 $0x1  }
0x4b: {  	_ =	swait.ge @!p0 [sflag:s0], s1  }
0x4c: {  	s1 =	ssub.s32 @!p0 $0x0, s1;
	[sflag:s0] =	ssyncset.done @!p0 $0x0  }
0x4d: {  	[sflag:s0] =	ssyncadd.s32 @!p0 s1  }
0x4e: {  	[bflag:$0x3] =	sbarrier.arrive $0xFFFF  }
0x4f: {  	_ =	shalt  }

</sc_bundles>
